<compile_context>
chip_gen: v7x
topology: tpu7x:2x2x1
jax: 0.10.2.dev20260603
libtpu: 0.0.44.dev20260713+nightly
codegen_flags: <defaults>
</compile_context>

<pallas_src>
import jax
import jax.numpy as jnp
import numpy as np
from jax import lax
from jax.experimental import pallas as pl
from jax.experimental.pallas import tpu as pltpu
from jax.experimental.pallas import tpu_sc as plsc

B, T, C = 8, 200, 32
NS = 16
NEG = np.float32(-np.inf)

_DNUMS = lax.GatherDimensionNumbers(
    offset_dims=(), collapsed_slice_dims=(0,), start_index_map=(0,))


def _gat(x, idx):
    return lax.gather(x, idx.reshape(16, 1), _DNUMS, (1,),
                      mode=lax.GatherScatterMode.PROMISE_IN_BOUNDS)


def _decode_body(logp_hbm, dec_hbm, len_hbm, sc_hbm,
                 lp_v, topk_v, topc_v, tc0_v, bps_v, path_v, dec_v,
                 stage_v, big_v, lens_v, scs_v, shared_ls):
    wid = lax.axis_index("c") * NS + lax.axis_index("s")

    @pl.when(wid < B)
    def _():
        b = wid
        pltpu.sync_copy(logp_hbm.at[b], lp_v)

        lane = lax.iota(jnp.int32, 16)
        i_pat = jnp.where(lane < 8, 0,
                          jnp.where(lane < 12, 1, jnp.where(lane < 14, 2, 3)))
        j_pat = lane - jnp.where(lane < 8, 0,
                                 jnp.where(lane < 12, 8,
                                           jnp.where(lane < 14, 12, 14)))
        g_pat = jnp.where(jnp.logical_and(lane >= 8, lane < 12), lane - 4, 0)
        zero16 = lane * 0
        ipat32 = i_pat * 32
        gpat32 = g_pat * 32
        neg16 = jnp.full((16,), NEG, jnp.float32)

        def presort(t, _):
            k0 = lp_v[t, pl.ds(0, 16)]
            k1 = lp_v[t, pl.ds(16, 16)]
            k0s, v0s = plsc.sort_key_val(k0, lane, descending=True)
            k1s, v1s = plsc.sort_key_val(k1, lane + 16, descending=True)
            sh8 = jnp.maximum(lane - 8, 0)
            km = jnp.where(lane < 8, k0s, _gat(k1s, sh8))
            vm = jnp.where(lane < 8, v0s, _gat(v1s, sh8))
            kms, vms = plsc.sort_key_val(km, vm, descending=True)
            topk_v[t, :] = kms
            topc_v[t, :] = vms
            return 0

        with jax.named_scope("presort"):
            lax.fori_loop(0, T, presort, 0)
        tc0_v[:] = topc_v[0, :]

        def step(t, acc):
            tk = topk_v[t, :]
            tc = topc_v[t, :]
            kA = _gat(acc, i_pat) + _gat(tk, j_pat)
            vA = ipat32 + _gat(tc, j_pat)
            kAs, vAs = plsc.sort_key_val(kA, vA, descending=True)
            kB = _gat(acc, g_pat) + _gat(tk, zero16)
            vB = gpat32 + _gat(tc, zero16)
            kM = jnp.where(lane < 8, kAs, jnp.where(lane < 12, kB, neg16))
            vM = jnp.where(lane < 8, vAs, vB)
            kMs, vMs = plsc.sort_key_val(kM, vM, descending=True)
            bps_v[t, :] = vMs
            return kMs

        with jax.named_scope("beamscan"):
            acc = lax.fori_loop(1, T, step, topk_v[0, :])

        nblk = (T + 15) // 16

        def bt_block(i, evec):
            blk = (nblk - 1) - i
            v = zero16
            for k in range(15, -1, -1):
                t = blk * 16 + k
                tt = jnp.minimum(t, T - 1)
                row = bps_v[tt, :]
                p = _gat(row, evec)
                sym = jnp.bitwise_and(p, 31)
                if k == 0:
                    p0 = _gat(tc0_v[:], evec)
                    sym = jnp.where(t == 0, p0, sym)
                valid = t < T
                v = jnp.where(jnp.logical_and(lane == k, valid), sym, v)
                evec = jnp.where(jnp.logical_and(valid, t > 0),
                                 jnp.right_shift(p, 5), evec)
            path_v[pl.ds(blk * 16, 16)] = v
            return evec

        with jax.named_scope("backtrack"):
            lax.fori_loop(0, nblk, bt_block, zero16)

        def initdec(i, _):
            dec_v[pl.ds(i * 16, 16)] = jnp.full((16,), -1, jnp.int32)
            return 0

        lax.fori_loop(0, 16, initdec, 0)

        last16 = zero16 + 15

        def collapse(blk, carry):
            pos, mprev = carry
            t0 = blk * 16
            cc = path_v[pl.ds(t0, 16)]
            nb = jnp.where(cc != 0, lane + t0, -1)
            cm = plsc.cummax(nb)
            tot = jnp.maximum(cm, mprev)
            excl = jnp.where(lane == 0, mprev,
                             _gat(tot, jnp.maximum(lane - 1, 0)))
            lastv = plsc.load_gather(path_v, [jnp.maximum(excl, 0)])
            lastc = jnp.where(excl < 0, -1, lastv)
            keep = jnp.logical_and(cc != 0, cc != lastc)
            csum = plsc.cumsum(keep.astype(jnp.int32))
            idx = pos + csum - 1
            plsc.store_scatter(dec_v, [jnp.where(keep, idx, 255)], cc,
                               mask=keep)
            return (pos + _gat(csum, last16), _gat(tot, last16))

        with jax.named_scope("collapse"):
            pos, _ = lax.fori_loop(0, nblk, collapse,
                                   (zero16, zero16 - 1))

        score_bits = plsc.bitcast(_gat(acc, zero16), jnp.int32)
        pltpu.sync_copy(dec_v, dec_hbm.at[b])
        stage_v[:] = jnp.where(lane == 0, pos,
                               jnp.where(lane == 1, score_bits, 0))
        pltpu.sync_copy(stage_v, shared_ls.at[pl.ds(b * 16, 16)])

    plsc.subcore_barrier()

    @pl.when(wid == 0)
    def _():
        lane = lax.iota(jnp.int32, 16)
        pltpu.sync_copy(shared_ls, big_v)
        lens_v[:] = plsc.load_gather(big_v, [lane * 16])
        scs_v[:] = plsc.bitcast(
            plsc.load_gather(big_v, [lane * 16 + 1]), jnp.float32)
        pltpu.sync_copy(lens_v.at[pl.ds(0, B)], len_hbm)
        pltpu.sync_copy(scs_v.at[pl.ds(0, B)], sc_hbm)


@jax.jit
def _sc_decode(logp):
    mesh = plsc.VectorSubcoreMesh(core_axis_name="c", subcore_axis_name="s",
                                  num_cores=1, num_subcores=NS)
    fn = pl.kernel(
        _decode_body,
        out_type=(
            jax.ShapeDtypeStruct((B, 256), jnp.int32),
            jax.ShapeDtypeStruct((B,), jnp.int32),
            jax.ShapeDtypeStruct((B,), jnp.float32),
        ),
        mesh=mesh,
        compiler_params=pltpu.CompilerParams(needs_layout_passes=False),
        scratch_types=[
            pltpu.VMEM((T, C), jnp.float32),
            pltpu.VMEM((T, 16), jnp.float32),
            pltpu.VMEM((T, 16), jnp.int32),
            pltpu.VMEM((16,), jnp.int32),
            pltpu.VMEM((T, 16), jnp.int32),
            pltpu.VMEM((256,), jnp.int32),
            pltpu.VMEM((256,), jnp.int32),
            pltpu.VMEM((16,), jnp.int32),
            pltpu.VMEM((256,), jnp.int32),
            pltpu.VMEM((16,), jnp.int32),
            pltpu.VMEM((16,), jnp.float32),
            pltpu.VMEM_SHARED((256,), jnp.int32),
        ],
    )
    return fn(logp)


def kernel(logits):
    logp = jax.nn.log_softmax(logits.astype(jnp.float32), axis=-1)
    dec_pad, lengths, scores = _sc_decode(logp)
    return dec_pad[:, :T], lengths, scores

# --- scband reference (transcript-rebuilt; emitter-appended) ---
"""Pipeline reference for scband-ctcbeam-search-decoder-88390426952431 (READ-ONLY COPY).

The authoritative reference and input builder live on the scoring server;
editing this copy changes nothing except your own understanding.
"""

import jax, jax.numpy as jnp
import numpy as np

BEAM_WIDTH = 8
BLANK_ID = 0

def _beam_search_paths(logp, beam_width, blank_id):
    B, T, C = logp.shape
    def per_batch(lp):
        vals0, idx0 = jax.lax.top_k(lp[0], beam_width)
        paths0 = jnp.zeros((beam_width, T), dtype=jnp.int32)
        paths0 = paths0.at[:, 0].set(idx0.astype(jnp.int32))
        def step(carry, xt):
            acc, paths, t = carry
            cand = acc[:, None] + xt[None, :]
            vals, idx = jax.lax.top_k(cand.reshape(-1), beam_width)
            bi = idx // C
            c = idx % C
            new_paths = paths[bi].at[:, t].set(c.astype(jnp.int32))
            return (vals.astype(jnp.float32), new_paths, t + 1), None
        (acc, paths, _), _ = jax.lax.scan(
            step, (vals0.astype(jnp.float32), paths0, jnp.int32(1)), lp[1:]
        )
        return paths[0], acc[0]
    return jax.vmap(per_batch)(logp)

def _collapse(path, blank_id):
    # faithful to torch postprocess: prefix already excludes blanks,
    # then consecutive duplicates in the prefix are removed
    T = path.shape[0]
    def step(last, c):
        keep = (c != blank_id) & (c != last)
        new_last = jnp.where(c != blank_id, c, last)
        return new_last, keep
    _, keep = jax.lax.scan(step, jnp.int32(-1), path.astype(jnp.int32))
    pos = jnp.cumsum(keep.astype(jnp.int32)) - 1
    idx = jnp.where(keep, pos, T)
    decoded = jnp.full((T,), -1, dtype=jnp.int32).at[idx].set(
        path.astype(jnp.int32), mode="drop"
    )
    length = jnp.sum(keep).astype(jnp.int32)
    return decoded, length

def setup_inputs(seed: int = 0):
    key = jax.random.key(seed)
    logits = jax.random.normal(key, (8, 200, 32), dtype=jnp.float32)
    return {"logits": logits}

def reference(logits):
    B, T, C = logits.shape
    logp = jax.nn.log_softmax(logits.astype(jnp.float32), axis=-1)
    paths, scores = _beam_search_paths(logp, BEAM_WIDTH, BLANK_ID)
    decoded, lengths = jax.vmap(lambda p: _collapse(p, BLANK_ID))(paths)
    return decoded, lengths, scores

if __name__ == "__main__":
    import jax
    _d = setup_inputs()
    print(jax.jit(kernel)(*tuple(_d.values())))

</pallas_src>

<mosaic_0001>
#map = affine_map<(d0, d1) -> (0, 0, 0)>
#map1 = affine_map<(d0, d1) -> (0, 0)>
#map2 = affine_map<(d0, d1) -> (0)>
module attributes {stable_mosaic.version = 14 : i64} {
  func.func @_decode_body(%arg0: i32, %arg1: i32, %arg2: memref<8x200x32xf32, #tpu.memory_space<hbm>>, %arg3: memref<8x256xi32, #tpu.memory_space<hbm>>, %arg4: memref<8xi32, #tpu.memory_space<hbm>>, %arg5: memref<8xf32, #tpu.memory_space<hbm>>, %arg6: memref<200x32xf32, #tpu.memory_space<vmem>>, %arg7: memref<200x16xf32, #tpu.memory_space<vmem>>, %arg8: memref<200x16xi32, #tpu.memory_space<vmem>>, %arg9: memref<16xi32, #tpu.memory_space<vmem>>, %arg10: memref<200x16xi32, #tpu.memory_space<vmem>>, %arg11: memref<256xi32, #tpu.memory_space<vmem>>, %arg12: memref<256xi32, #tpu.memory_space<vmem>>, %arg13: memref<16xi32, #tpu.memory_space<vmem>>, %arg14: memref<256xi32, #tpu.memory_space<vmem>>, %arg15: memref<16xi32, #tpu.memory_space<vmem>>, %arg16: memref<16xf32, #tpu.memory_space<vmem>>, %arg17: memref<256xi32, #tpu.memory_space<vmem_shared>>) attributes {dimension_semantics = [#tpu.dimension_semantics<core_parallel>, #tpu.dimension_semantics<subcore_parallel>], iteration_bounds = array<i64: 1, 16>, scalar_prefetch = 0 : i64, scratch_operands = 12 : i64, tpu.core_type = #tpu.core_type<sc_vector_subcore>, window_params = [{transform_indices = #map}, {transform_indices = #map1}, {transform_indices = #map2}, {transform_indices = #map2}]} {
    %mul3A = arith.constant 16 : i32
    %mul3A_0 = arith.muli %arg0, %mul3A : i32
    %add3A = arith.addi %mul3A_0, %arg1 : i32
    %lt3A = arith.constant 8 : i32
    %lt3A_1 = arith.cmpi slt, %add3A, %lt3A : i32
    %convert_element_type3A = arith.extui %lt3A_1 : i1 to i32
    %cond3A = arith.constant 0 : i32
    %cond3A_2 = arith.cmpi ne, %convert_element_type3A, %cond3A : i32
    scf.if %cond3A_2 {
      "tpu.region"() ({
        %run_scoped3A = tpu.sem_alloc : memref<!tpu.dma_semaphore, #tpu.memory_space<semaphore_mem>>
        %dma_start3A = arith.constant 0 : i32
        %dma_start3A_126 = arith.constant 0 : i32
        %dma_start3A_127 = tpu.memref_slice %arg2[%add3A, %dma_start3A, %dma_start3A_126] : memref<8x200x32xf32, #tpu.memory_space<hbm>> -> memref<1x200x32xf32, #tpu.memory_space<hbm>>
        %dma_start3A_128 = tpu.memref_squeeze %dma_start3A_127 : memref<1x200x32xf32, #tpu.memory_space<hbm>> -> memref<200x32xf32, #tpu.memory_space<hbm>>
        %dma_start3A_129 = arith.constant 0 : i32
        %dma_start3A_130 = arith.constant 0 : i32
        %dma_start3A_131 = tpu.memref_slice %arg2[%add3A, %dma_start3A_129, %dma_start3A_130] : memref<8x200x32xf32, #tpu.memory_space<hbm>> -> memref<1x200x32xf32, #tpu.memory_space<hbm>>
        %dma_start3A_132 = tpu.memref_squeeze %dma_start3A_131 : memref<1x200x32xf32, #tpu.memory_space<hbm>> -> memref<200x32xf32, #tpu.memory_space<hbm>>
        tpu.enqueue_dma source(%dma_start3A_132 : memref<200x32xf32, #tpu.memory_space<hbm>>) target(%arg6 : memref<200x32xf32, #tpu.memory_space<vmem>>) target_semaphore(%run_scoped3A : memref<!tpu.dma_semaphore, #tpu.memory_space<semaphore_mem>>)
        %dma_wait3A = arith.constant 0 : i32
        %dma_wait3A_133 = arith.constant 0 : i32
        %dma_wait3A_134 = tpu.memref_slice %arg2[%add3A, %dma_wait3A, %dma_wait3A_133] : memref<8x200x32xf32, #tpu.memory_space<hbm>> -> memref<1x200x32xf32, #tpu.memory_space<hbm>>
        %dma_wait3A_135 = tpu.memref_squeeze %dma_wait3A_134 : memref<1x200x32xf32, #tpu.memory_space<hbm>> -> memref<200x32xf32, #tpu.memory_space<hbm>>
        %dma_wait3A_136 = arith.constant 0 : i32
        %dma_wait3A_137 = arith.constant 0 : i32
        %dma_wait3A_138 = tpu.memref_slice %arg2[%add3A, %dma_wait3A_136, %dma_wait3A_137] : memref<8x200x32xf32, #tpu.memory_space<hbm>> -> memref<1x200x32xf32, #tpu.memory_space<hbm>>
        %dma_wait3A_139 = tpu.memref_squeeze %dma_wait3A_138 : memref<1x200x32xf32, #tpu.memory_space<hbm>> -> memref<200x32xf32, #tpu.memory_space<hbm>>
        tpu.wait_dma2 semaphore(%run_scoped3A : memref<!tpu.dma_semaphore, #tpu.memory_space<semaphore_mem>>) src(%dma_wait3A_139 : memref<200x32xf32, #tpu.memory_space<hbm>>) dst(%arg6 : memref<200x32xf32, #tpu.memory_space<vmem>>)
        tpu.yield
      }) : () -> ()
      %iota3A = tpu.iota {dimensions = array<i32: 0>} : vector<16xi32>
      %lt3A_7 = arith.constant 8 : i32
      %lt3A_8 = vector.broadcast %lt3A_7 : i32 to vector<16xi32>
      %lt3A_9 = arith.cmpi slt, %iota3A, %lt3A_8 : vector<16xi32>
      %lt3A_10 = arith.constant 12 : i32
      %lt3A_11 = vector.broadcast %lt3A_10 : i32 to vector<16xi32>
      %lt3A_12 = arith.cmpi slt, %iota3A, %lt3A_11 : vector<16xi32>
      %lt3A_13 = arith.constant 14 : i32
      %lt3A_14 = vector.broadcast %lt3A_13 : i32 to vector<16xi32>
      %lt3A_15 = arith.cmpi slt, %iota3A, %lt3A_14 : vector<16xi32>
      %jit3A = arith.constant 2 : i32
      %jit3A_16 = arith.constant 3 : i32
      %broadcast_in_dim3A = vector.broadcast %jit3A : i32 to vector<16xi32>
      %broadcast_in_dim3A_17 = vector.broadcast %jit3A_16 : i32 to vector<16xi32>
      %select_n3A = arith.select %lt3A_15, %broadcast_in_dim3A, %broadcast_in_dim3A_17 : vector<16xi1>, vector<16xi32>
      %jit3A_18 = arith.constant 1 : i32
      %broadcast_in_dim3A_19 = vector.broadcast %jit3A_18 : i32 to vector<16xi32>
      %select_n3A_20 = arith.select %lt3A_12, %broadcast_in_dim3A_19, %select_n3A : vector<16xi1>, vector<16xi32>
      %jit3A_21 = arith.constant 0 : i32
      %broadcast_in_dim3A_22 = vector.broadcast %jit3A_21 : i32 to vector<16xi32>
      %select_n3A_23 = arith.select %lt3A_9, %broadcast_in_dim3A_22, %select_n3A_20 : vector<16xi1>, vector<16xi32>
      %lt3A_24 = arith.constant 8 : i32
      %lt3A_25 = vector.broadcast %lt3A_24 : i32 to vector<16xi32>
      %lt3A_26 = arith.cmpi slt, %iota3A, %lt3A_25 : vector<16xi32>
      %lt3A_27 = arith.constant 12 : i32
      %lt3A_28 = vector.broadcast %lt3A_27 : i32 to vector<16xi32>
      %lt3A_29 = arith.cmpi slt, %iota3A, %lt3A_28 : vector<16xi32>
      %lt3A_30 = arith.constant 14 : i32
      %lt3A_31 = vector.broadcast %lt3A_30 : i32 to vector<16xi32>
      %lt3A_32 = arith.cmpi slt, %iota3A, %lt3A_31 : vector<16xi32>
      %jit3A_33 = arith.constant 12 : i32
      %jit3A_34 = arith.constant 14 : i32
      %broadcast_in_dim3A_35 = vector.broadcast %jit3A_33 : i32 to vector<16xi32>
      %broadcast_in_dim3A_36 = vector.broadcast %jit3A_34 : i32 to vector<16xi32>
      %select_n3A_37 = arith.select %lt3A_32, %broadcast_in_dim3A_35, %broadcast_in_dim3A_36 : vector<16xi1>, vector<16xi32>
      %jit3A_38 = arith.constant 8 : i32
      %broadcast_in_dim3A_39 = vector.broadcast %jit3A_38 : i32 to vector<16xi32>
      %select_n3A_40 = arith.select %lt3A_29, %broadcast_in_dim3A_39, %select_n3A_37 : vector<16xi1>, vector<16xi32>
      %jit3A_41 = arith.constant 0 : i32
      %broadcast_in_dim3A_42 = vector.broadcast %jit3A_41 : i32 to vector<16xi32>
      %select_n3A_43 = arith.select %lt3A_26, %broadcast_in_dim3A_42, %select_n3A_40 : vector<16xi1>, vector<16xi32>
      %sub3A = arith.subi %iota3A, %select_n3A_43 : vector<16xi32>
      %ge3A = arith.constant 8 : i32
      %ge3A_44 = vector.broadcast %ge3A : i32 to vector<16xi32>
      %ge3A_45 = arith.cmpi sge, %iota3A, %ge3A_44 : vector<16xi32>
      %lt3A_46 = arith.constant 12 : i32
      %lt3A_47 = vector.broadcast %lt3A_46 : i32 to vector<16xi32>
      %lt3A_48 = arith.cmpi slt, %iota3A, %lt3A_47 : vector<16xi32>
      %and3A = arith.andi %ge3A_45, %lt3A_48 : vector<16xi1>
      %sub3A_49 = arith.constant 4 : i32
      %sub3A_50 = vector.broadcast %sub3A_49 : i32 to vector<16xi32>
      %sub3A_51 = arith.subi %iota3A, %sub3A_50 : vector<16xi32>
      %jit3A_52 = arith.constant 0 : i32
      %broadcast_in_dim3A_53 = vector.broadcast %jit3A_52 : i32 to vector<16xi32>
      %select_n3A_54 = arith.select %and3A, %sub3A_51, %broadcast_in_dim3A_53 : vector<16xi1>, vector<16xi32>
      %mul3A_55 = arith.constant 0 : i32
      %mul3A_56 = vector.broadcast %mul3A_55 : i32 to vector<16xi32>
      %mul3A_57 = arith.muli %iota3A, %mul3A_56 : vector<16xi32>
      %mul3A_58 = arith.constant 32 : i32
      %mul3A_59 = vector.broadcast %mul3A_58 : i32 to vector<16xi32>
      %mul3A_60 = arith.muli %select_n3A_23, %mul3A_59 : vector<16xi32>
      %mul3A_61 = arith.constant 32 : i32
      %mul3A_62 = vector.broadcast %mul3A_61 : i32 to vector<16xi32>
      %mul3A_63 = arith.muli %select_n3A_54, %mul3A_62 : vector<16xi32>
      %broadcast_in_dim3A_64 = arith.constant 0xFF800000 : f32
      %broadcast_in_dim3A_65 = vector.broadcast %broadcast_in_dim3A_64 : f32 to vector<16xf32>
      "tpu.trace_start"() <{level = 10 : i32, message = "presort"}> : () -> ()
      %scan3A = arith.constant 0 : i32
      %scan3A_66 = arith.constant 0 : i32
      %scan3A_67 = arith.constant 200 : i32
      %scan3A_68 = arith.addi %scan3A_66, %scan3A_67 : i32
      %scan3A_69 = arith.constant 1 : i32
      %scan3A_70 = scf.for %scan3A_126 = %scan3A_66 to %scan3A_68 step %scan3A_69 iter_args(%scan3A_127 = %scan3A) -> (i32)  : i32 {
        %get3A_128 = arith.index_cast %scan3A_126 : i32 to index
        %get3A_129 = arith.constant 0 : index
        %get3A_130 = tpu.vector_load %arg6[%get3A_128, %get3A_129] {strides = array<i32>} : memref<200x32xf32, #tpu.memory_space<vmem>>, vector<16xf32>,
        %get3A_131 = arith.index_cast %scan3A_126 : i32 to index
        %get3A_132 = arith.constant 16 : index
        %get3A_133 = tpu.vector_load %arg6[%get3A_131, %get3A_132] {strides = array<i32>} : memref<200x32xf32, #tpu.memory_space<vmem>>, vector<16xf32>,
        %masked_sort3A = arith.constant dense<true> : vector<16xi1>
        %masked_sort3A_134, %masked_sort3A_135, %masked_sort3A_136 = tpu.sort %get3A_130, %iota3A masked %masked_sort3A {descending = true} : (vector<16xf32>, vector<16xi32>, vector<16xi1>) -> (vector<16xi1>, vector<16xf32>, vector<16xi32>)
        %add3A_137 = arith.constant 16 : i32
        %add3A_138 = vector.broadcast %add3A_137 : i32 to vector<16xi32>
        %add3A_139 = arith.addi %iota3A, %add3A_138 : vector<16xi32>
        %masked_sort3A_140 = arith.constant dense<true> : vector<16xi1>
        %masked_sort3A_141, %masked_sort3A_142, %masked_sort3A_143 = tpu.sort %get3A_133, %add3A_139 masked %masked_sort3A_140 {descending = true} : (vector<16xf32>, vector<16xi32>, vector<16xi1>) -> (vector<16xi1>, vector<16xf32>, vector<16xi32>)
        %sub3A_144 = arith.constant 8 : i32
        %sub3A_145 = vector.broadcast %sub3A_144 : i32 to vector<16xi32>
        %sub3A_146 = arith.subi %iota3A, %sub3A_145 : vector<16xi32>
        %max3A = arith.constant 0 : i32
        %max3A_147 = vector.broadcast %max3A : i32 to vector<16xi32>
        %max3A_148 = arith.maxsi %sub3A_146, %max3A_147 : vector<16xi32>
        %lt3A_149 = arith.constant 8 : i32
        %lt3A_150 = vector.broadcast %lt3A_149 : i32 to vector<16xi32>
        %lt3A_151 = arith.cmpi slt, %iota3A, %lt3A_150 : vector<16xi32>
        %reshape3A_152 = vector.shape_cast %max3A_148 : vector<16xi32> to vector<16x1xi32>
        %gather3A_153 = vector.shape_cast %reshape3A_152 : vector<16x1xi32> to vector<16xi32>
        %gather3A_154 = tpu.dynamic_gather %masked_sort3A_142[%gather3A_153] in [0] : vector<16xf32>, vector<16xi32> -> vector<16xf32>
        %select_n3A_155 = arith.select %lt3A_151, %masked_sort3A_135, %gather3A_154 : vector<16xi1>, vector<16xf32>
        %lt3A_156 = arith.constant 8 : i32
        %lt3A_157 = vector.broadcast %lt3A_156 : i32 to vector<16xi32>
        %lt3A_158 = arith.cmpi slt, %iota3A, %lt3A_157 : vector<16xi32>
        %reshape3A_159 = vector.shape_cast %max3A_148 : vector<16xi32> to vector<16x1xi32>
        %gather3A_160 = vector.shape_cast %reshape3A_159 : vector<16x1xi32> to vector<16xi32>
        %gather3A_161 = tpu.dynamic_gather %masked_sort3A_143[%gather3A_160] in [0] : vector<16xi32>, vector<16xi32> -> vector<16xi32>
        %select_n3A_162 = arith.select %lt3A_158, %masked_sort3A_136, %gather3A_161 : vector<16xi1>, vector<16xi32>
        %masked_sort3A_163 = arith.constant dense<true> : vector<16xi1>
        %masked_sort3A_164, %masked_sort3A_165, %masked_sort3A_166 = tpu.sort %select_n3A_155, %select_n3A_162 masked %masked_sort3A_163 {descending = true} : (vector<16xf32>, vector<16xi32>, vector<16xi1>) -> (vector<16xi1>, vector<16xf32>, vector<16xi32>)
        %swap3A_167 = arith.index_cast %scan3A_126 : i32 to index
        %swap3A_168 = arith.constant 0 : index
        %swap3A_169 = tpu.vector_load %arg7[%swap3A_167, %swap3A_168] {strides = array<i32>} : memref<200x16xf32, #tpu.memory_space<vmem>>, vector<16xf32>,
        tpu.vector_store %arg7[%swap3A_167, %swap3A_168], %masked_sort3A_165 {strides = array<i32>} : memref<200x16xf32, #tpu.memory_space<vmem>>, vector<16xf32>,
        %swap3A_170 = arith.index_cast %scan3A_126 : i32 to index
        %swap3A_171 = arith.constant 0 : index
        %swap3A_172 = tpu.vector_load %arg8[%swap3A_170, %swap3A_171] {strides = array<i32>} : memref<200x16xi32, #tpu.memory_space<vmem>>, vector<16xi32>,
        tpu.vector_store %arg8[%swap3A_170, %swap3A_171], %masked_sort3A_166 {strides = array<i32>} : memref<200x16xi32, #tpu.memory_space<vmem>>, vector<16xi32>,
        %scan3A_173 = arith.constant 0 : i32
        scf.yield %scan3A_173 : i32
      }
      %scan3A_71 = arith.constant 200 : i32
      %get3A = arith.constant 0 : i32
      "tpu.trace_stop"() : () -> ()
      %get3A_72 = arith.index_cast %get3A : i32 to index
      %get3A_73 = arith.constant 0 : index
      %get3A_74 = tpu.vector_load %arg8[%get3A_72, %get3A_73] {strides = array<i32>} : memref<200x16xi32, #tpu.memory_space<vmem>>, vector<16xi32>,
      %swap3A = arith.constant 0 : index
      %swap3A_75 = tpu.vector_load %arg9[%swap3A] {strides = array<i32>} : memref<16xi32, #tpu.memory_space<vmem>>, vector<16xi32>,
      tpu.vector_store %arg9[%swap3A], %get3A_74 {strides = array<i32>} : memref<16xi32, #tpu.memory_space<vmem>>, vector<16xi32>,
      %get3A_76 = arith.constant 0 : i32
      "tpu.trace_start"() <{level = 10 : i32, message = "beamscan"}> : () -> ()
      %get3A_77 = arith.index_cast %get3A_76 : i32 to index
      %get3A_78 = arith.constant 0 : index
      %get3A_79 = tpu.vector_load %arg7[%get3A_77, %get3A_78] {strides = array<i32>} : memref<200x16xf32, #tpu.memory_space<vmem>>, vector<16xf32>,
      %scan3A_80 = arith.constant 1 : i32
      %scan3A_81 = arith.constant 199 : i32
      %scan3A_82 = arith.addi %scan3A_80, %scan3A_81 : i32
      %scan3A_83 = arith.constant 1 : i32
      %scan3A_84 = scf.for %scan3A_126 = %scan3A_80 to %scan3A_82 step %scan3A_83 iter_args(%scan3A_127 = %get3A_79) -> (vector<16xf32>)  : i32 {
        %get3A_128 = arith.index_cast %scan3A_126 : i32 to index
        %get3A_129 = arith.constant 0 : index
        %get3A_130 = tpu.vector_load %arg7[%get3A_128, %get3A_129] {strides = array<i32>} : memref<200x16xf32, #tpu.memory_space<vmem>>, vector<16xf32>,
        %get3A_131 = arith.index_cast %scan3A_126 : i32 to index
        %get3A_132 = arith.constant 0 : index
        %get3A_133 = tpu.vector_load %arg8[%get3A_131, %get3A_132] {strides = array<i32>} : memref<200x16xi32, #tpu.memory_space<vmem>>, vector<16xi32>,
        %reshape3A_134 = vector.shape_cast %select_n3A_23 : vector<16xi32> to vector<16x1xi32>
        %gather3A_135 = vector.shape_cast %reshape3A_134 : vector<16x1xi32> to vector<16xi32>
        %gather3A_136 = tpu.dynamic_gather %scan3A_127[%gather3A_135] in [0] : vector<16xf32>, vector<16xi32> -> vector<16xf32>
        %reshape3A_137 = vector.shape_cast %sub3A : vector<16xi32> to vector<16x1xi32>
        %gather3A_138 = vector.shape_cast %reshape3A_137 : vector<16x1xi32> to vector<16xi32>
        %gather3A_139 = tpu.dynamic_gather %get3A_130[%gather3A_138] in [0] : vector<16xf32>, vector<16xi32> -> vector<16xf32>
        %add3A_140 = arith.addf %gather3A_136, %gather3A_139 : vector<16xf32>
        %reshape3A_141 = vector.shape_cast %sub3A : vector<16xi32> to vector<16x1xi32>
        %gather3A_142 = vector.shape_cast %reshape3A_141 : vector<16x1xi32> to vector<16xi32>
        %gather3A_143 = tpu.dynamic_gather %get3A_133[%gather3A_142] in [0] : vector<16xi32>, vector<16xi32> -> vector<16xi32>
        %add3A_144 = arith.addi %mul3A_60, %gather3A_143 : vector<16xi32>
        %masked_sort3A = arith.constant dense<true> : vector<16xi1>
        %masked_sort3A_145, %masked_sort3A_146, %masked_sort3A_147 = tpu.sort %add3A_140, %add3A_144 masked %masked_sort3A {descending = true} : (vector<16xf32>, vector<16xi32>, vector<16xi1>) -> (vector<16xi1>, vector<16xf32>, vector<16xi32>)
        %reshape3A_148 = vector.shape_cast %select_n3A_54 : vector<16xi32> to vector<16x1xi32>
        %gather3A_149 = vector.shape_cast %reshape3A_148 : vector<16x1xi32> to vector<16xi32>
        %gather3A_150 = tpu.dynamic_gather %scan3A_127[%gather3A_149] in [0] : vector<16xf32>, vector<16xi32> -> vector<16xf32>
        %reshape3A_151 = vector.shape_cast %mul3A_57 : vector<16xi32> to vector<16x1xi32>
        %gather3A_152 = vector.shape_cast %reshape3A_151 : vector<16x1xi32> to vector<16xi32>
        %gather3A_153 = tpu.dynamic_gather %get3A_130[%gather3A_152] in [0] : vector<16xf32>, vector<16xi32> -> vector<16xf32>
        %add3A_154 = arith.addf %gather3A_150, %gather3A_153 : vector<16xf32>
        %reshape3A_155 = vector.shape_cast %mul3A_57 : vector<16xi32> to vector<16x1xi32>
        %gather3A_156 = vector.shape_cast %reshape3A_155 : vector<16x1xi32> to vector<16xi32>
        %gather3A_157 = tpu.dynamic_gather %get3A_133[%gather3A_156] in [0] : vector<16xi32>, vector<16xi32> -> vector<16xi32>
        %add3A_158 = arith.addi %mul3A_63, %gather3A_157 : vector<16xi32>
        %lt3A_159 = arith.constant 8 : i32
        %lt3A_160 = vector.broadcast %lt3A_159 : i32 to vector<16xi32>
        %lt3A_161 = arith.cmpi slt, %iota3A, %lt3A_160 : vector<16xi32>
        %lt3A_162 = arith.constant 12 : i32
        %lt3A_163 = vector.broadcast %lt3A_162 : i32 to vector<16xi32>
        %lt3A_164 = arith.cmpi slt, %iota3A, %lt3A_163 : vector<16xi32>
        %select_n3A_165 = arith.select %lt3A_164, %add3A_154, %broadcast_in_dim3A_65 : vector<16xi1>, vector<16xf32>
        %select_n3A_166 = arith.select %lt3A_161, %masked_sort3A_146, %select_n3A_165 : vector<16xi1>, vector<16xf32>
        %lt3A_167 = arith.constant 8 : i32
        %lt3A_168 = vector.broadcast %lt3A_167 : i32 to vector<16xi32>
        %lt3A_169 = arith.cmpi slt, %iota3A, %lt3A_168 : vector<16xi32>
        %select_n3A_170 = arith.select %lt3A_169, %masked_sort3A_147, %add3A_158 : vector<16xi1>, vector<16xi32>
        %masked_sort3A_171 = arith.constant dense<true> : vector<16xi1>
        %masked_sort3A_172, %masked_sort3A_173, %masked_sort3A_174 = tpu.sort %select_n3A_166, %select_n3A_170 masked %masked_sort3A_171 {descending = true} : (vector<16xf32>, vector<16xi32>, vector<16xi1>) -> (vector<16xi1>, vector<16xf32>, vector<16xi32>)
        %swap3A_175 = arith.index_cast %scan3A_126 : i32 to index
        %swap3A_176 = arith.constant 0 : index
        %swap3A_177 = tpu.vector_load %arg10[%swap3A_175, %swap3A_176] {strides = array<i32>} : memref<200x16xi32, #tpu.memory_space<vmem>>, vector<16xi32>,
        tpu.vector_store %arg10[%swap3A_175, %swap3A_176], %masked_sort3A_174 {strides = array<i32>} : memref<200x16xi32, #tpu.memory_space<vmem>>, vector<16xi32>,
        scf.yield %masked_sort3A_173 : vector<16xf32>
      }
      %scan3A_85 = arith.constant 199 : i32
      "tpu.trace_stop"() : () -> ()
      "tpu.trace_start"() <{level = 10 : i32, message = "backtrack"}> : () -> ()
      %scan3A_86 = arith.constant 0 : i32
      %scan3A_87 = arith.constant 13 : i32
      %scan3A_88 = arith.addi %scan3A_86, %scan3A_87 : i32
      %scan3A_89 = arith.constant 1 : i32
      %scan3A_90 = scf.for %scan3A_126 = %scan3A_86 to %scan3A_88 step %scan3A_89 iter_args(%scan3A_127 = %mul3A_57) -> (vector<16xi32>)  : i32 {
        %sub3A_128 = arith.constant 12 : i32
        %sub3A_129 = arith.subi %sub3A_128, %scan3A_126 : i32
        %mul3A_130 = arith.constant 16 : i32
        %mul3A_131 = arith.muli %sub3A_129, %mul3A_130 : i32
        %add3A_132 = arith.constant 15 : i32
        %add3A_133 = arith.addi %mul3A_131, %add3A_132 : i32
        %min3A = arith.constant 199 : i32
        %min3A_134 = arith.minsi %add3A_133, %min3A : i32
        %get3A_135 = arith.index_cast %min3A_134 : i32 to index
        %get3A_136 = arith.constant 0 : index
        %get3A_137 = tpu.vector_load %arg10[%get3A_135, %get3A_136] {strides = array<i32>} : memref<200x16xi32, #tpu.memory_space<vmem>>, vector<16xi32>,
        %reshape3A_138 = vector.shape_cast %scan3A_127 : vector<16xi32> to vector<16x1xi32>
        %gather3A_139 = vector.shape_cast %reshape3A_138 : vector<16x1xi32> to vector<16xi32>
        %gather3A_140 = tpu.dynamic_gather %get3A_137[%gather3A_139] in [0] : vector<16xi32>, vector<16xi32> -> vector<16xi32>
        %and3A_141 = arith.constant 31 : i32
        %and3A_142 = vector.broadcast %and3A_141 : i32 to vector<16xi32>
        %and3A_143 = arith.andi %gather3A_140, %and3A_142 : vector<16xi32>
        %lt3A_144 = arith.constant 200 : i32
        %lt3A_145 = arith.cmpi slt, %add3A_133, %lt3A_144 : i32
        %eq3A_146 = arith.constant 15 : i32
        %eq3A_147 = vector.broadcast %eq3A_146 : i32 to vector<16xi32>
        %eq3A_148 = arith.cmpi eq, %iota3A, %eq3A_147 : vector<16xi32>
        %and3A_149 = vector.broadcast %lt3A_145 : i1 to vector<16xi1>
        %and3A_150 = arith.andi %eq3A_148, %and3A_149 : vector<16xi1>
        %select_n3A_151 = arith.select %and3A_150, %and3A_143, %mul3A_57 : vector<16xi1>, vector<16xi32>
        %gt3A = arith.constant 0 : i32
        %gt3A_152 = arith.cmpi sgt, %add3A_133, %gt3A : i32
        %and3A_153 = arith.andi %lt3A_145, %gt3A_152 : i1
        %shift_right_arithmetic3A = arith.constant 5 : i32
        %shift_right_arithmetic3A_154 = vector.broadcast %shift_right_arithmetic3A : i32 to vector<16xi32>
        %shift_right_arithmetic3A_155 = arith.shrsi %gather3A_140, %shift_right_arithmetic3A_154 : vector<16xi32>
        %select_n3A_156 = arith.select %and3A_153, %shift_right_arithmetic3A_155, %scan3A_127 : vector<16xi32>
        %mul3A_157 = arith.constant 16 : i32
        %mul3A_158 = arith.muli %sub3A_129, %mul3A_157 : i32
        %add3A_159 = arith.constant 14 : i32
        %add3A_160 = arith.addi %mul3A_158, %add3A_159 : i32
        %min3A_161 = arith.constant 199 : i32
        %min3A_162 = arith.minsi %add3A_160, %min3A_161 : i32
        %get3A_163 = arith.index_cast %min3A_162 : i32 to index
        %get3A_164 = arith.constant 0 : index
        %get3A_165 = tpu.vector_load %arg10[%get3A_163, %get3A_164] {strides = array<i32>} : memref<200x16xi32, #tpu.memory_space<vmem>>, vector<16xi32>,
        %reshape3A_166 = vector.shape_cast %select_n3A_156 : vector<16xi32> to vector<16x1xi32>
        %gather3A_167 = vector.shape_cast %reshape3A_166 : vector<16x1xi32> to vector<16xi32>
        %gather3A_168 = tpu.dynamic_gather %get3A_165[%gather3A_167] in [0] : vector<16xi32>, vector<16xi32> -> vector<16xi32>
        %and3A_169 = arith.constant 31 : i32
        %and3A_170 = vector.broadcast %and3A_169 : i32 to vector<16xi32>
        %and3A_171 = arith.andi %gather3A_168, %and3A_170 : vector<16xi32>
        %lt3A_172 = arith.constant 200 : i32
        %lt3A_173 = arith.cmpi slt, %add3A_160, %lt3A_172 : i32
        %eq3A_174 = arith.constant 14 : i32
        %eq3A_175 = vector.broadcast %eq3A_174 : i32 to vector<16xi32>
        %eq3A_176 = arith.cmpi eq, %iota3A, %eq3A_175 : vector<16xi32>
        %and3A_177 = vector.broadcast %lt3A_173 : i1 to vector<16xi1>
        %and3A_178 = arith.andi %eq3A_176, %and3A_177 : vector<16xi1>
        %select_n3A_179 = arith.select %and3A_178, %and3A_171, %select_n3A_151 : vector<16xi1>, vector<16xi32>
        %gt3A_180 = arith.constant 0 : i32
        %gt3A_181 = arith.cmpi sgt, %add3A_160, %gt3A_180 : i32
        %and3A_182 = arith.andi %lt3A_173, %gt3A_181 : i1
        %shift_right_arithmetic3A_183 = arith.constant 5 : i32
        %shift_right_arithmetic3A_184 = vector.broadcast %shift_right_arithmetic3A_183 : i32 to vector<16xi32>
        %shift_right_arithmetic3A_185 = arith.shrsi %gather3A_168, %shift_right_arithmetic3A_184 : vector<16xi32>
        %select_n3A_186 = arith.select %and3A_182, %shift_right_arithmetic3A_185, %select_n3A_156 : vector<16xi32>
        %mul3A_187 = arith.constant 16 : i32
        %mul3A_188 = arith.muli %sub3A_129, %mul3A_187 : i32
        %add3A_189 = arith.constant 13 : i32
        %add3A_190 = arith.addi %mul3A_188, %add3A_189 : i32
        %min3A_191 = arith.constant 199 : i32
        %min3A_192 = arith.minsi %add3A_190, %min3A_191 : i32
        %get3A_193 = arith.index_cast %min3A_192 : i32 to index
        %get3A_194 = arith.constant 0 : index
        %get3A_195 = tpu.vector_load %arg10[%get3A_193, %get3A_194] {strides = array<i32>} : memref<200x16xi32, #tpu.memory_space<vmem>>, vector<16xi32>,
        %reshape3A_196 = vector.shape_cast %select_n3A_186 : vector<16xi32> to vector<16x1xi32>
        %gather3A_197 = vector.shape_cast %reshape3A_196 : vector<16x1xi32> to vector<16xi32>
        %gather3A_198 = tpu.dynamic_gather %get3A_195[%gather3A_197] in [0] : vector<16xi32>, vector<16xi32> -> vector<16xi32>
        %and3A_199 = arith.constant 31 : i32
        %and3A_200 = vector.broadcast %and3A_199 : i32 to vector<16xi32>
        %and3A_201 = arith.andi %gather3A_198, %and3A_200 : vector<16xi32>
        %lt3A_202 = arith.constant 200 : i32
        %lt3A_203 = arith.cmpi slt, %add3A_190, %lt3A_202 : i32
        %eq3A_204 = arith.constant 13 : i32
        %eq3A_205 = vector.broadcast %eq3A_204 : i32 to vector<16xi32>
        %eq3A_206 = arith.cmpi eq, %iota3A, %eq3A_205 : vector<16xi32>
        %and3A_207 = vector.broadcast %lt3A_203 : i1 to vector<16xi1>
        %and3A_208 = arith.andi %eq3A_206, %and3A_207 : vector<16xi1>
        %select_n3A_209 = arith.select %and3A_208, %and3A_201, %select_n3A_179 : vector<16xi1>, vector<16xi32>
        %gt3A_210 = arith.constant 0 : i32
        %gt3A_211 = arith.cmpi sgt, %add3A_190, %gt3A_210 : i32
        %and3A_212 = arith.andi %lt3A_203, %gt3A_211 : i1
        %shift_right_arithmetic3A_213 = arith.constant 5 : i32
        %shift_right_arithmetic3A_214 = vector.broadcast %shift_right_arithmetic3A_213 : i32 to vector<16xi32>
        %shift_right_arithmetic3A_215 = arith.shrsi %gather3A_198, %shift_right_arithmetic3A_214 : vector<16xi32>
        %select_n3A_216 = arith.select %and3A_212, %shift_right_arithmetic3A_215, %select_n3A_186 : vector<16xi32>
        %mul3A_217 = arith.constant 16 : i32
        %mul3A_218 = arith.muli %sub3A_129, %mul3A_217 : i32
        %add3A_219 = arith.constant 12 : i32
        %add3A_220 = arith.addi %mul3A_218, %add3A_219 : i32
        %min3A_221 = arith.constant 199 : i32
        %min3A_222 = arith.minsi %add3A_220, %min3A_221 : i32
        %get3A_223 = arith.index_cast %min3A_222 : i32 to index
        %get3A_224 = arith.constant 0 : index
        %get3A_225 = tpu.vector_load %arg10[%get3A_223, %get3A_224] {strides = array<i32>} : memref<200x16xi32, #tpu.memory_space<vmem>>, vector<16xi32>,
        %reshape3A_226 = vector.shape_cast %select_n3A_216 : vector<16xi32> to vector<16x1xi32>
        %gather3A_227 = vector.shape_cast %reshape3A_226 : vector<16x1xi32> to vector<16xi32>
        %gather3A_228 = tpu.dynamic_gather %get3A_225[%gather3A_227] in [0] : vector<16xi32>, vector<16xi32> -> vector<16xi32>
        %and3A_229 = arith.constant 31 : i32
        %and3A_230 = vector.broadcast %and3A_229 : i32 to vector<16xi32>
        %and3A_231 = arith.andi %gather3A_228, %and3A_230 : vector<16xi32>
        %lt3A_232 = arith.constant 200 : i32
        %lt3A_233 = arith.cmpi slt, %add3A_220, %lt3A_232 : i32
        %eq3A_234 = arith.constant 12 : i32
        %eq3A_235 = vector.broadcast %eq3A_234 : i32 to vector<16xi32>
        %eq3A_236 = arith.cmpi eq, %iota3A, %eq3A_235 : vector<16xi32>
        %and3A_237 = vector.broadcast %lt3A_233 : i1 to vector<16xi1>
        %and3A_238 = arith.andi %eq3A_236, %and3A_237 : vector<16xi1>
        %select_n3A_239 = arith.select %and3A_238, %and3A_231, %select_n3A_209 : vector<16xi1>, vector<16xi32>
        %gt3A_240 = arith.constant 0 : i32
        %gt3A_241 = arith.cmpi sgt, %add3A_220, %gt3A_240 : i32
        %and3A_242 = arith.andi %lt3A_233, %gt3A_241 : i1
        %shift_right_arithmetic3A_243 = arith.constant 5 : i32
        %shift_right_arithmetic3A_244 = vector.broadcast %shift_right_arithmetic3A_243 : i32 to vector<16xi32>
        %shift_right_arithmetic3A_245 = arith.shrsi %gather3A_228, %shift_right_arithmetic3A_244 : vector<16xi32>
        %select_n3A_246 = arith.select %and3A_242, %shift_right_arithmetic3A_245, %select_n3A_216 : vector<16xi32>
        %mul3A_247 = arith.constant 16 : i32
        %mul3A_248 = arith.muli %sub3A_129, %mul3A_247 : i32
        %add3A_249 = arith.constant 11 : i32
        %add3A_250 = arith.addi %mul3A_248, %add3A_249 : i32
        %min3A_251 = arith.constant 199 : i32
        %min3A_252 = arith.minsi %add3A_250, %min3A_251 : i32
        %get3A_253 = arith.index_cast %min3A_252 : i32 to index
        %get3A_254 = arith.constant 0 : index
        %get3A_255 = tpu.vector_load %arg10[%get3A_253, %get3A_254] {strides = array<i32>} : memref<200x16xi32, #tpu.memory_space<vmem>>, vector<16xi32>,
        %reshape3A_256 = vector.shape_cast %select_n3A_246 : vector<16xi32> to vector<16x1xi32>
        %gather3A_257 = vector.shape_cast %reshape3A_256 : vector<16x1xi32> to vector<16xi32>
        %gather3A_258 = tpu.dynamic_gather %get3A_255[%gather3A_257] in [0] : vector<16xi32>, vector<16xi32> -> vector<16xi32>
        %and3A_259 = arith.constant 31 : i32
        %and3A_260 = vector.broadcast %and3A_259 : i32 to vector<16xi32>
        %and3A_261 = arith.andi %gather3A_258, %and3A_260 : vector<16xi32>
        %lt3A_262 = arith.constant 200 : i32
        %lt3A_263 = arith.cmpi slt, %add3A_250, %lt3A_262 : i32
        %eq3A_264 = arith.constant 11 : i32
        %eq3A_265 = vector.broadcast %eq3A_264 : i32 to vector<16xi32>
        %eq3A_266 = arith.cmpi eq, %iota3A, %eq3A_265 : vector<16xi32>
        %and3A_267 = vector.broadcast %lt3A_263 : i1 to vector<16xi1>
        %and3A_268 = arith.andi %eq3A_266, %and3A_267 : vector<16xi1>
        %select_n3A_269 = arith.select %and3A_268, %and3A_261, %select_n3A_239 : vector<16xi1>, vector<16xi32>
        %gt3A_270 = arith.constant 0 : i32
        %gt3A_271 = arith.cmpi sgt, %add3A_250, %gt3A_270 : i32
        %and3A_272 = arith.andi %lt3A_263, %gt3A_271 : i1
        %shift_right_arithmetic3A_273 = arith.constant 5 : i32
        %shift_right_arithmetic3A_274 = vector.broadcast %shift_right_arithmetic3A_273 : i32 to vector<16xi32>
        %shift_right_arithmetic3A_275 = arith.shrsi %gather3A_258, %shift_right_arithmetic3A_274 : vector<16xi32>
        %select_n3A_276 = arith.select %and3A_272, %shift_right_arithmetic3A_275, %select_n3A_246 : vector<16xi32>
        %mul3A_277 = arith.constant 16 : i32
        %mul3A_278 = arith.muli %sub3A_129, %mul3A_277 : i32
        %add3A_279 = arith.constant 10 : i32
        %add3A_280 = arith.addi %mul3A_278, %add3A_279 : i32
        %min3A_281 = arith.constant 199 : i32
        %min3A_282 = arith.minsi %add3A_280, %min3A_281 : i32
        %get3A_283 = arith.index_cast %min3A_282 : i32 to index
        %get3A_284 = arith.constant 0 : index
        %get3A_285 = tpu.vector_load %arg10[%get3A_283, %get3A_284] {strides = array<i32>} : memref<200x16xi32, #tpu.memory_space<vmem>>, vector<16xi32>,
        %reshape3A_286 = vector.shape_cast %select_n3A_276 : vector<16xi32> to vector<16x1xi32>
        %gather3A_287 = vector.shape_cast %reshape3A_286 : vector<16x1xi32> to vector<16xi32>
        %gather3A_288 = tpu.dynamic_gather %get3A_285[%gather3A_287] in [0] : vector<16xi32>, vector<16xi32> -> vector<16xi32>
        %and3A_289 = arith.constant 31 : i32
        %and3A_290 = vector.broadcast %and3A_289 : i32 to vector<16xi32>
        %and3A_291 = arith.andi %gather3A_288, %and3A_290 : vector<16xi32>
        %lt3A_292 = arith.constant 200 : i32
        %lt3A_293 = arith.cmpi slt, %add3A_280, %lt3A_292 : i32
        %eq3A_294 = arith.constant 10 : i32
        %eq3A_295 = vector.broadcast %eq3A_294 : i32 to vector<16xi32>
        %eq3A_296 = arith.cmpi eq, %iota3A, %eq3A_295 : vector<16xi32>
        %and3A_297 = vector.broadcast %lt3A_293 : i1 to vector<16xi1>
        %and3A_298 = arith.andi %eq3A_296, %and3A_297 : vector<16xi1>
        %select_n3A_299 = arith.select %and3A_298, %and3A_291, %select_n3A_269 : vector<16xi1>, vector<16xi32>
        %gt3A_300 = arith.constant 0 : i32
        %gt3A_301 = arith.cmpi sgt, %add3A_280, %gt3A_300 : i32
        %and3A_302 = arith.andi %lt3A_293, %gt3A_301 : i1
        %shift_right_arithmetic3A_303 = arith.constant 5 : i32
        %shift_right_arithmetic3A_304 = vector.broadcast %shift_right_arithmetic3A_303 : i32 to vector<16xi32>
        %shift_right_arithmetic3A_305 = arith.shrsi %gather3A_288, %shift_right_arithmetic3A_304 : vector<16xi32>
        %select_n3A_306 = arith.select %and3A_302, %shift_right_arithmetic3A_305, %select_n3A_276 : vector<16xi32>
        %mul3A_307 = arith.constant 16 : i32
        %mul3A_308 = arith.muli %sub3A_129, %mul3A_307 : i32
        %add3A_309 = arith.constant 9 : i32
        %add3A_310 = arith.addi %mul3A_308, %add3A_309 : i32
        %min3A_311 = arith.constant 199 : i32
        %min3A_312 = arith.minsi %add3A_310, %min3A_311 : i32
        %get3A_313 = arith.index_cast %min3A_312 : i32 to index
        %get3A_314 = arith.constant 0 : index
        %get3A_315 = tpu.vector_load %arg10[%get3A_313, %get3A_314] {strides = array<i32>} : memref<200x16xi32, #tpu.memory_space<vmem>>, vector<16xi32>,
        %reshape3A_316 = vector.shape_cast %select_n3A_306 : vector<16xi32> to vector<16x1xi32>
        %gather3A_317 = vector.shape_cast %reshape3A_316 : vector<16x1xi32> to vector<16xi32>
        %gather3A_318 = tpu.dynamic_gather %get3A_315[%gather3A_317] in [0] : vector<16xi32>, vector<16xi32> -> vector<16xi32>
        %and3A_319 = arith.constant 31 : i32
        %and3A_320 = vector.broadcast %and3A_319 : i32 to vector<16xi32>
        %and3A_321 = arith.andi %gather3A_318, %and3A_320 : vector<16xi32>
        %lt3A_322 = arith.constant 200 : i32
        %lt3A_323 = arith.cmpi slt, %add3A_310, %lt3A_322 : i32
        %eq3A_324 = arith.constant 9 : i32
        %eq3A_325 = vector.broadcast %eq3A_324 : i32 to vector<16xi32>
        %eq3A_326 = arith.cmpi eq, %iota3A, %eq3A_325 : vector<16xi32>
        %and3A_327 = vector.broadcast %lt3A_323 : i1 to vector<16xi1>
        %and3A_328 = arith.andi %eq3A_326, %and3A_327 : vector<16xi1>
        %select_n3A_329 = arith.select %and3A_328, %and3A_321, %select_n3A_299 : vector<16xi1>, vector<16xi32>
        %gt3A_330 = arith.constant 0 : i32
        %gt3A_331 = arith.cmpi sgt, %add3A_310, %gt3A_330 : i32
        %and3A_332 = arith.andi %lt3A_323, %gt3A_331 : i1
        %shift_right_arithmetic3A_333 = arith.constant 5 : i32
        %shift_right_arithmetic3A_334 = vector.broadcast %shift_right_arithmetic3A_333 : i32 to vector<16xi32>
        %shift_right_arithmetic3A_335 = arith.shrsi %gather3A_318, %shift_right_arithmetic3A_334 : vector<16xi32>
        %select_n3A_336 = arith.select %and3A_332, %shift_right_arithmetic3A_335, %select_n3A_306 : vector<16xi32>
        %mul3A_337 = arith.constant 16 : i32
        %mul3A_338 = arith.muli %sub3A_129, %mul3A_337 : i32
        %add3A_339 = arith.constant 8 : i32
        %add3A_340 = arith.addi %mul3A_338, %add3A_339 : i32
        %min3A_341 = arith.constant 199 : i32
        %min3A_342 = arith.minsi %add3A_340, %min3A_341 : i32
        %get3A_343 = arith.index_cast %min3A_342 : i32 to index
        %get3A_344 = arith.constant 0 : index
        %get3A_345 = tpu.vector_load %arg10[%get3A_343, %get3A_344] {strides = array<i32>} : memref<200x16xi32, #tpu.memory_space<vmem>>, vector<16xi32>,
        %reshape3A_346 = vector.shape_cast %select_n3A_336 : vector<16xi32> to vector<16x1xi32>
        %gather3A_347 = vector.shape_cast %reshape3A_346 : vector<16x1xi32> to vector<16xi32>
        %gather3A_348 = tpu.dynamic_gather %get3A_345[%gather3A_347] in [0] : vector<16xi32>, vector<16xi32> -> vector<16xi32>
        %and3A_349 = arith.constant 31 : i32
        %and3A_350 = vector.broadcast %and3A_349 : i32 to vector<16xi32>
        %and3A_351 = arith.andi %gather3A_348, %and3A_350 : vector<16xi32>
        %lt3A_352 = arith.constant 200 : i32
        %lt3A_353 = arith.cmpi slt, %add3A_340, %lt3A_352 : i32
        %eq3A_354 = arith.constant 8 : i32
        %eq3A_355 = vector.broadcast %eq3A_354 : i32 to vector<16xi32>
        %eq3A_356 = arith.cmpi eq, %iota3A, %eq3A_355 : vector<16xi32>
        %and3A_357 = vector.broadcast %lt3A_353 : i1 to vector<16xi1>
        %and3A_358 = arith.andi %eq3A_356, %and3A_357 : vector<16xi1>
        %select_n3A_359 = arith.select %and3A_358, %and3A_351, %select_n3A_329 : vector<16xi1>, vector<16xi32>
        %gt3A_360 = arith.constant 0 : i32
        %gt3A_361 = arith.cmpi sgt, %add3A_340, %gt3A_360 : i32
        %and3A_362 = arith.andi %lt3A_353, %gt3A_361 : i1
        %shift_right_arithmetic3A_363 = arith.constant 5 : i32
        %shift_right_arithmetic3A_364 = vector.broadcast %shift_right_arithmetic3A_363 : i32 to vector<16xi32>
        %shift_right_arithmetic3A_365 = arith.shrsi %gather3A_348, %shift_right_arithmetic3A_364 : vector<16xi32>
        %select_n3A_366 = arith.select %and3A_362, %shift_right_arithmetic3A_365, %select_n3A_336 : vector<16xi32>
        %mul3A_367 = arith.constant 16 : i32
        %mul3A_368 = arith.muli %sub3A_129, %mul3A_367 : i32
        %add3A_369 = arith.constant 7 : i32
        %add3A_370 = arith.addi %mul3A_368, %add3A_369 : i32
        %min3A_371 = arith.constant 199 : i32
        %min3A_372 = arith.minsi %add3A_370, %min3A_371 : i32
        %get3A_373 = arith.index_cast %min3A_372 : i32 to index
        %get3A_374 = arith.constant 0 : index
        %get3A_375 = tpu.vector_load %arg10[%get3A_373, %get3A_374] {strides = array<i32>} : memref<200x16xi32, #tpu.memory_space<vmem>>, vector<16xi32>,
        %reshape3A_376 = vector.shape_cast %select_n3A_366 : vector<16xi32> to vector<16x1xi32>
        %gather3A_377 = vector.shape_cast %reshape3A_376 : vector<16x1xi32> to vector<16xi32>
        %gather3A_378 = tpu.dynamic_gather %get3A_375[%gather3A_377] in [0] : vector<16xi32>, vector<16xi32> -> vector<16xi32>
        %and3A_379 = arith.constant 31 : i32
        %and3A_380 = vector.broadcast %and3A_379 : i32 to vector<16xi32>
        %and3A_381 = arith.andi %gather3A_378, %and3A_380 : vector<16xi32>
        %lt3A_382 = arith.constant 200 : i32
        %lt3A_383 = arith.cmpi slt, %add3A_370, %lt3A_382 : i32
        %eq3A_384 = arith.constant 7 : i32
        %eq3A_385 = vector.broadcast %eq3A_384 : i32 to vector<16xi32>
        %eq3A_386 = arith.cmpi eq, %iota3A, %eq3A_385 : vector<16xi32>
        %and3A_387 = vector.broadcast %lt3A_383 : i1 to vector<16xi1>
        %and3A_388 = arith.andi %eq3A_386, %and3A_387 : vector<16xi1>
        %select_n3A_389 = arith.select %and3A_388, %and3A_381, %select_n3A_359 : vector<16xi1>, vector<16xi32>
        %gt3A_390 = arith.constant 0 : i32
        %gt3A_391 = arith.cmpi sgt, %add3A_370, %gt3A_390 : i32
        %and3A_392 = arith.andi %lt3A_383, %gt3A_391 : i1
        %shift_right_arithmetic3A_393 = arith.constant 5 : i32
        %shift_right_arithmetic3A_394 = vector.broadcast %shift_right_arithmetic3A_393 : i32 to vector<16xi32>
        %shift_right_arithmetic3A_395 = arith.shrsi %gather3A_378, %shift_right_arithmetic3A_394 : vector<16xi32>
        %select_n3A_396 = arith.select %and3A_392, %shift_right_arithmetic3A_395, %select_n3A_366 : vector<16xi32>
        %mul3A_397 = arith.constant 16 : i32
        %mul3A_398 = arith.muli %sub3A_129, %mul3A_397 : i32
        %add3A_399 = arith.constant 6 : i32
        %add3A_400 = arith.addi %mul3A_398, %add3A_399 : i32
        %min3A_401 = arith.constant 199 : i32
        %min3A_402 = arith.minsi %add3A_400, %min3A_401 : i32
        %get3A_403 = arith.index_cast %min3A_402 : i32 to index
        %get3A_404 = arith.constant 0 : index
        %get3A_405 = tpu.vector_load %arg10[%get3A_403, %get3A_404] {strides = array<i32>} : memref<200x16xi32, #tpu.memory_space<vmem>>, vector<16xi32>,
        %reshape3A_406 = vector.shape_cast %select_n3A_396 : vector<16xi32> to vector<16x1xi32>
        %gather3A_407 = vector.shape_cast %reshape3A_406 : vector<16x1xi32> to vector<16xi32>
        %gather3A_408 = tpu.dynamic_gather %get3A_405[%gather3A_407] in [0] : vector<16xi32>, vector<16xi32> -> vector<16xi32>
        %and3A_409 = arith.constant 31 : i32
        %and3A_410 = vector.broadcast %and3A_409 : i32 to vector<16xi32>
        %and3A_411 = arith.andi %gather3A_408, %and3A_410 : vector<16xi32>
        %lt3A_412 = arith.constant 200 : i32
        %lt3A_413 = arith.cmpi slt, %add3A_400, %lt3A_412 : i32
        %eq3A_414 = arith.constant 6 : i32
        %eq3A_415 = vector.broadcast %eq3A_414 : i32 to vector<16xi32>
        %eq3A_416 = arith.cmpi eq, %iota3A, %eq3A_415 : vector<16xi32>
        %and3A_417 = vector.broadcast %lt3A_413 : i1 to vector<16xi1>
        %and3A_418 = arith.andi %eq3A_416, %and3A_417 : vector<16xi1>
        %select_n3A_419 = arith.select %and3A_418, %and3A_411, %select_n3A_389 : vector<16xi1>, vector<16xi32>
        %gt3A_420 = arith.constant 0 : i32
        %gt3A_421 = arith.cmpi sgt, %add3A_400, %gt3A_420 : i32
        %and3A_422 = arith.andi %lt3A_413, %gt3A_421 : i1
        %shift_right_arithmetic3A_423 = arith.constant 5 : i32
        %shift_right_arithmetic3A_424 = vector.broadcast %shift_right_arithmetic3A_423 : i32 to vector<16xi32>
        %shift_right_arithmetic3A_425 = arith.shrsi %gather3A_408, %shift_right_arithmetic3A_424 : vector<16xi32>
        %select_n3A_426 = arith.select %and3A_422, %shift_right_arithmetic3A_425, %select_n3A_396 : vector<16xi32>
        %mul3A_427 = arith.constant 16 : i32
        %mul3A_428 = arith.muli %sub3A_129, %mul3A_427 : i32
        %add3A_429 = arith.constant 5 : i32
        %add3A_430 = arith.addi %mul3A_428, %add3A_429 : i32
        %min3A_431 = arith.constant 199 : i32
        %min3A_432 = arith.minsi %add3A_430, %min3A_431 : i32
        %get3A_433 = arith.index_cast %min3A_432 : i32 to index
        %get3A_434 = arith.constant 0 : index
        %get3A_435 = tpu.vector_load %arg10[%get3A_433, %get3A_434] {strides = array<i32>} : memref<200x16xi32, #tpu.memory_space<vmem>>, vector<16xi32>,
        %reshape3A_436 = vector.shape_cast %select_n3A_426 : vector<16xi32> to vector<16x1xi32>
        %gather3A_437 = vector.shape_cast %reshape3A_436 : vector<16x1xi32> to vector<16xi32>
        %gather3A_438 = tpu.dynamic_gather %get3A_435[%gather3A_437] in [0] : vector<16xi32>, vector<16xi32> -> vector<16xi32>
        %and3A_439 = arith.constant 31 : i32
        %and3A_440 = vector.broadcast %and3A_439 : i32 to vector<16xi32>
        %and3A_441 = arith.andi %gather3A_438, %and3A_440 : vector<16xi32>
        %lt3A_442 = arith.constant 200 : i32
        %lt3A_443 = arith.cmpi slt, %add3A_430, %lt3A_442 : i32
        %eq3A_444 = arith.constant 5 : i32
        %eq3A_445 = vector.broadcast %eq3A_444 : i32 to vector<16xi32>
        %eq3A_446 = arith.cmpi eq, %iota3A, %eq3A_445 : vector<16xi32>
        %and3A_447 = vector.broadcast %lt3A_443 : i1 to vector<16xi1>
        %and3A_448 = arith.andi %eq3A_446, %and3A_447 : vector<16xi1>
        %select_n3A_449 = arith.select %and3A_448, %and3A_441, %select_n3A_419 : vector<16xi1>, vector<16xi32>
        %gt3A_450 = arith.constant 0 : i32
        %gt3A_451 = arith.cmpi sgt, %add3A_430, %gt3A_450 : i32
        %and3A_452 = arith.andi %lt3A_443, %gt3A_451 : i1
        %shift_right_arithmetic3A_453 = arith.constant 5 : i32
        %shift_right_arithmetic3A_454 = vector.broadcast %shift_right_arithmetic3A_453 : i32 to vector<16xi32>
        %shift_right_arithmetic3A_455 = arith.shrsi %gather3A_438, %shift_right_arithmetic3A_454 : vector<16xi32>
        %select_n3A_456 = arith.select %and3A_452, %shift_right_arithmetic3A_455, %select_n3A_426 : vector<16xi32>
        %mul3A_457 = arith.constant 16 : i32
        %mul3A_458 = arith.muli %sub3A_129, %mul3A_457 : i32
        %add3A_459 = arith.constant 4 : i32
        %add3A_460 = arith.addi %mul3A_458, %add3A_459 : i32
        %min3A_461 = arith.constant 199 : i32
        %min3A_462 = arith.minsi %add3A_460, %min3A_461 : i32
        %get3A_463 = arith.index_cast %min3A_462 : i32 to index
        %get3A_464 = arith.constant 0 : index
        %get3A_465 = tpu.vector_load %arg10[%get3A_463, %get3A_464] {strides = array<i32>} : memref<200x16xi32, #tpu.memory_space<vmem>>, vector<16xi32>,
        %reshape3A_466 = vector.shape_cast %select_n3A_456 : vector<16xi32> to vector<16x1xi32>
        %gather3A_467 = vector.shape_cast %reshape3A_466 : vector<16x1xi32> to vector<16xi32>
        %gather3A_468 = tpu.dynamic_gather %get3A_465[%gather3A_467] in [0] : vector<16xi32>, vector<16xi32> -> vector<16xi32>
        %and3A_469 = arith.constant 31 : i32
        %and3A_470 = vector.broadcast %and3A_469 : i32 to vector<16xi32>
        %and3A_471 = arith.andi %gather3A_468, %and3A_470 : vector<16xi32>
        %lt3A_472 = arith.constant 200 : i32
        %lt3A_473 = arith.cmpi slt, %add3A_460, %lt3A_472 : i32
        %eq3A_474 = arith.constant 4 : i32
        %eq3A_475 = vector.broadcast %eq3A_474 : i32 to vector<16xi32>
        %eq3A_476 = arith.cmpi eq, %iota3A, %eq3A_475 : vector<16xi32>
        %and3A_477 = vector.broadcast %lt3A_473 : i1 to vector<16xi1>
        %and3A_478 = arith.andi %eq3A_476, %and3A_477 : vector<16xi1>
        %select_n3A_479 = arith.select %and3A_478, %and3A_471, %select_n3A_449 : vector<16xi1>, vector<16xi32>
        %gt3A_480 = arith.constant 0 : i32
        %gt3A_481 = arith.cmpi sgt, %add3A_460, %gt3A_480 : i32
        %and3A_482 = arith.andi %lt3A_473, %gt3A_481 : i1
        %shift_right_arithmetic3A_483 = arith.constant 5 : i32
        %shift_right_arithmetic3A_484 = vector.broadcast %shift_right_arithmetic3A_483 : i32 to vector<16xi32>
        %shift_right_arithmetic3A_485 = arith.shrsi %gather3A_468, %shift_right_arithmetic3A_484 : vector<16xi32>
        %select_n3A_486 = arith.select %and3A_482, %shift_right_arithmetic3A_485, %select_n3A_456 : vector<16xi32>
        %mul3A_487 = arith.constant 16 : i32
        %mul3A_488 = arith.muli %sub3A_129, %mul3A_487 : i32
        %add3A_489 = arith.constant 3 : i32
        %add3A_490 = arith.addi %mul3A_488, %add3A_489 : i32
        %min3A_491 = arith.constant 199 : i32
        %min3A_492 = arith.minsi %add3A_490, %min3A_491 : i32
        %get3A_493 = arith.index_cast %min3A_492 : i32 to index
        %get3A_494 = arith.constant 0 : index
        %get3A_495 = tpu.vector_load %arg10[%get3A_493, %get3A_494] {strides = array<i32>} : memref<200x16xi32, #tpu.memory_space<vmem>>, vector<16xi32>,
        %reshape3A_496 = vector.shape_cast %select_n3A_486 : vector<16xi32> to vector<16x1xi32>
        %gather3A_497 = vector.shape_cast %reshape3A_496 : vector<16x1xi32> to vector<16xi32>
        %gather3A_498 = tpu.dynamic_gather %get3A_495[%gather3A_497] in [0] : vector<16xi32>, vector<16xi32> -> vector<16xi32>
        %and3A_499 = arith.constant 31 : i32
        %and3A_500 = vector.broadcast %and3A_499 : i32 to vector<16xi32>
        %and3A_501 = arith.andi %gather3A_498, %and3A_500 : vector<16xi32>
        %lt3A_502 = arith.constant 200 : i32
        %lt3A_503 = arith.cmpi slt, %add3A_490, %lt3A_502 : i32
        %eq3A_504 = arith.constant 3 : i32
        %eq3A_505 = vector.broadcast %eq3A_504 : i32 to vector<16xi32>
        %eq3A_506 = arith.cmpi eq, %iota3A, %eq3A_505 : vector<16xi32>
        %and3A_507 = vector.broadcast %lt3A_503 : i1 to vector<16xi1>
        %and3A_508 = arith.andi %eq3A_506, %and3A_507 : vector<16xi1>
        %select_n3A_509 = arith.select %and3A_508, %and3A_501, %select_n3A_479 : vector<16xi1>, vector<16xi32>
        %gt3A_510 = arith.constant 0 : i32
        %gt3A_511 = arith.cmpi sgt, %add3A_490, %gt3A_510 : i32
        %and3A_512 = arith.andi %lt3A_503, %gt3A_511 : i1
        %shift_right_arithmetic3A_513 = arith.constant 5 : i32
        %shift_right_arithmetic3A_514 = vector.broadcast %shift_right_arithmetic3A_513 : i32 to vector<16xi32>
        %shift_right_arithmetic3A_515 = arith.shrsi %gather3A_498, %shift_right_arithmetic3A_514 : vector<16xi32>
        %select_n3A_516 = arith.select %and3A_512, %shift_right_arithmetic3A_515, %select_n3A_486 : vector<16xi32>
        %mul3A_517 = arith.constant 16 : i32
        %mul3A_518 = arith.muli %sub3A_129, %mul3A_517 : i32
        %add3A_519 = arith.constant 2 : i32
        %add3A_520 = arith.addi %mul3A_518, %add3A_519 : i32
        %min3A_521 = arith.constant 199 : i32
        %min3A_522 = arith.minsi %add3A_520, %min3A_521 : i32
        %get3A_523 = arith.index_cast %min3A_522 : i32 to index
        %get3A_524 = arith.constant 0 : index
        %get3A_525 = tpu.vector_load %arg10[%get3A_523, %get3A_524] {strides = array<i32>} : memref<200x16xi32, #tpu.memory_space<vmem>>, vector<16xi32>,
        %reshape3A_526 = vector.shape_cast %select_n3A_516 : vector<16xi32> to vector<16x1xi32>
        %gather3A_527 = vector.shape_cast %reshape3A_526 : vector<16x1xi32> to vector<16xi32>
        %gather3A_528 = tpu.dynamic_gather %get3A_525[%gather3A_527] in [0] : vector<16xi32>, vector<16xi32> -> vector<16xi32>
        %and3A_529 = arith.constant 31 : i32
        %and3A_530 = vector.broadcast %and3A_529 : i32 to vector<16xi32>
        %and3A_531 = arith.andi %gather3A_528, %and3A_530 : vector<16xi32>
        %lt3A_532 = arith.constant 200 : i32
        %lt3A_533 = arith.cmpi slt, %add3A_520, %lt3A_532 : i32
        %eq3A_534 = arith.constant 2 : i32
        %eq3A_535 = vector.broadcast %eq3A_534 : i32 to vector<16xi32>
        %eq3A_536 = arith.cmpi eq, %iota3A, %eq3A_535 : vector<16xi32>
        %and3A_537 = vector.broadcast %lt3A_533 : i1 to vector<16xi1>
        %and3A_538 = arith.andi %eq3A_536, %and3A_537 : vector<16xi1>
        %select_n3A_539 = arith.select %and3A_538, %and3A_531, %select_n3A_509 : vector<16xi1>, vector<16xi32>
        %gt3A_540 = arith.constant 0 : i32
        %gt3A_541 = arith.cmpi sgt, %add3A_520, %gt3A_540 : i32
        %and3A_542 = arith.andi %lt3A_533, %gt3A_541 : i1
        %shift_right_arithmetic3A_543 = arith.constant 5 : i32
        %shift_right_arithmetic3A_544 = vector.broadcast %shift_right_arithmetic3A_543 : i32 to vector<16xi32>
        %shift_right_arithmetic3A_545 = arith.shrsi %gather3A_528, %shift_right_arithmetic3A_544 : vector<16xi32>
        %select_n3A_546 = arith.select %and3A_542, %shift_right_arithmetic3A_545, %select_n3A_516 : vector<16xi32>
        %mul3A_547 = arith.constant 16 : i32
        %mul3A_548 = arith.muli %sub3A_129, %mul3A_547 : i32
        %add3A_549 = arith.constant 1 : i32
        %add3A_550 = arith.addi %mul3A_548, %add3A_549 : i32
        %min3A_551 = arith.constant 199 : i32
        %min3A_552 = arith.minsi %add3A_550, %min3A_551 : i32
        %get3A_553 = arith.index_cast %min3A_552 : i32 to index
        %get3A_554 = arith.constant 0 : index
        %get3A_555 = tpu.vector_load %arg10[%get3A_553, %get3A_554] {strides = array<i32>} : memref<200x16xi32, #tpu.memory_space<vmem>>, vector<16xi32>,
        %reshape3A_556 = vector.shape_cast %select_n3A_546 : vector<16xi32> to vector<16x1xi32>
        %gather3A_557 = vector.shape_cast %reshape3A_556 : vector<16x1xi32> to vector<16xi32>
        %gather3A_558 = tpu.dynamic_gather %get3A_555[%gather3A_557] in [0] : vector<16xi32>, vector<16xi32> -> vector<16xi32>
        %and3A_559 = arith.constant 31 : i32
        %and3A_560 = vector.broadcast %and3A_559 : i32 to vector<16xi32>
        %and3A_561 = arith.andi %gather3A_558, %and3A_560 : vector<16xi32>
        %lt3A_562 = arith.constant 200 : i32
        %lt3A_563 = arith.cmpi slt, %add3A_550, %lt3A_562 : i32
        %eq3A_564 = arith.constant 1 : i32
        %eq3A_565 = vector.broadcast %eq3A_564 : i32 to vector<16xi32>
        %eq3A_566 = arith.cmpi eq, %iota3A, %eq3A_565 : vector<16xi32>
        %and3A_567 = vector.broadcast %lt3A_563 : i1 to vector<16xi1>
        %and3A_568 = arith.andi %eq3A_566, %and3A_567 : vector<16xi1>
        %select_n3A_569 = arith.select %and3A_568, %and3A_561, %select_n3A_539 : vector<16xi1>, vector<16xi32>
        %gt3A_570 = arith.constant 0 : i32
        %gt3A_571 = arith.cmpi sgt, %add3A_550, %gt3A_570 : i32
        %and3A_572 = arith.andi %lt3A_563, %gt3A_571 : i1
        %shift_right_arithmetic3A_573 = arith.constant 5 : i32
        %shift_right_arithmetic3A_574 = vector.broadcast %shift_right_arithmetic3A_573 : i32 to vector<16xi32>
        %shift_right_arithmetic3A_575 = arith.shrsi %gather3A_558, %shift_right_arithmetic3A_574 : vector<16xi32>
        %select_n3A_576 = arith.select %and3A_572, %shift_right_arithmetic3A_575, %select_n3A_546 : vector<16xi32>
        %mul3A_577 = arith.constant 16 : i32
        %mul3A_578 = arith.muli %sub3A_129, %mul3A_577 : i32
        %add3A_579 = arith.constant 0 : i32
        %add3A_580 = arith.addi %mul3A_578, %add3A_579 : i32
        %min3A_581 = arith.constant 199 : i32
        %min3A_582 = arith.minsi %add3A_580, %min3A_581 : i32
        %get3A_583 = arith.index_cast %min3A_582 : i32 to index
        %get3A_584 = arith.constant 0 : index
        %get3A_585 = tpu.vector_load %arg10[%get3A_583, %get3A_584] {strides = array<i32>} : memref<200x16xi32, #tpu.memory_space<vmem>>, vector<16xi32>,
        %reshape3A_586 = vector.shape_cast %select_n3A_576 : vector<16xi32> to vector<16x1xi32>
        %gather3A_587 = vector.shape_cast %reshape3A_586 : vector<16x1xi32> to vector<16xi32>
        %gather3A_588 = tpu.dynamic_gather %get3A_585[%gather3A_587] in [0] : vector<16xi32>, vector<16xi32> -> vector<16xi32>
        %and3A_589 = arith.constant 31 : i32
        %and3A_590 = vector.broadcast %and3A_589 : i32 to vector<16xi32>
        %and3A_591 = arith.andi %gather3A_588, %and3A_590 : vector<16xi32>
        %get3A_592 = arith.constant 0 : index
        %get3A_593 = tpu.vector_load %arg9[%get3A_592] {strides = array<i32>} : memref<16xi32, #tpu.memory_space<vmem>>, vector<16xi32>,
        %reshape3A_594 = vector.shape_cast %select_n3A_576 : vector<16xi32> to vector<16x1xi32>
        %gather3A_595 = vector.shape_cast %reshape3A_594 : vector<16x1xi32> to vector<16xi32>
        %gather3A_596 = tpu.dynamic_gather %get3A_593[%gather3A_595] in [0] : vector<16xi32>, vector<16xi32> -> vector<16xi32>
        %eq3A_597 = arith.constant 0 : i32
        %eq3A_598 = arith.cmpi eq, %add3A_580, %eq3A_597 : i32
        %select_n3A_599 = arith.select %eq3A_598, %gather3A_596, %and3A_591 : vector<16xi32>
        %lt3A_600 = arith.constant 200 : i32
        %lt3A_601 = arith.cmpi slt, %add3A_580, %lt3A_600 : i32
        %eq3A_602 = arith.constant 0 : i32
        %eq3A_603 = vector.broadcast %eq3A_602 : i32 to vector<16xi32>
        %eq3A_604 = arith.cmpi eq, %iota3A, %eq3A_603 : vector<16xi32>
        %and3A_605 = vector.broadcast %lt3A_601 : i1 to vector<16xi1>
        %and3A_606 = arith.andi %eq3A_604, %and3A_605 : vector<16xi1>
        %select_n3A_607 = arith.select %and3A_606, %select_n3A_599, %select_n3A_569 : vector<16xi1>, vector<16xi32>
        %gt3A_608 = arith.constant 0 : i32
        %gt3A_609 = arith.cmpi sgt, %add3A_580, %gt3A_608 : i32
        %and3A_610 = arith.andi %lt3A_601, %gt3A_609 : i1
        %shift_right_arithmetic3A_611 = arith.constant 5 : i32
        %shift_right_arithmetic3A_612 = vector.broadcast %shift_right_arithmetic3A_611 : i32 to vector<16xi32>
        %shift_right_arithmetic3A_613 = arith.shrsi %gather3A_588, %shift_right_arithmetic3A_612 : vector<16xi32>
        %select_n3A_614 = arith.select %and3A_610, %shift_right_arithmetic3A_613, %select_n3A_576 : vector<16xi32>
        %mul3A_615 = arith.constant 16 : i32
        %mul3A_616 = arith.muli %sub3A_129, %mul3A_615 : i32
        %swap3A_617 = arith.index_cast %mul3A_616 : i32 to index
        %swap3A_618 = tpu.vector_load %arg11[%swap3A_617] {strides = array<i32>} : memref<256xi32, #tpu.memory_space<vmem>>, vector<16xi32>,
        tpu.vector_store %arg11[%swap3A_617], %select_n3A_607 {strides = array<i32>} : memref<256xi32, #tpu.memory_space<vmem>>, vector<16xi32>,
        scf.yield %select_n3A_614 : vector<16xi32>
      }
      %scan3A_91 = arith.constant 13 : i32
      "tpu.trace_stop"() : () -> ()
      %scan3A_92 = arith.constant 0 : i32
      %scan3A_93 = arith.constant 0 : i32
      %scan3A_94 = arith.constant 16 : i32
      %scan3A_95 = arith.addi %scan3A_93, %scan3A_94 : i32
      %scan3A_96 = arith.constant 1 : i32
      %scan3A_97 = scf.for %scan3A_126 = %scan3A_93 to %scan3A_95 step %scan3A_96 iter_args(%scan3A_127 = %scan3A_92) -> (i32)  : i32 {
        %broadcast_in_dim3A_128 = arith.constant -1 : i32
        %broadcast_in_dim3A_129 = vector.broadcast %broadcast_in_dim3A_128 : i32 to vector<16xi32>
        %mul3A_130 = arith.constant 16 : i32
        %mul3A_131 = arith.muli %scan3A_126, %mul3A_130 : i32
        %swap3A_132 = arith.index_cast %mul3A_131 : i32 to index
        %swap3A_133 = tpu.vector_load %arg12[%swap3A_132] {strides = array<i32>} : memref<256xi32, #tpu.memory_space<vmem>>, vector<16xi32>,
        tpu.vector_store %arg12[%swap3A_132], %broadcast_in_dim3A_129 {strides = array<i32>} : memref<256xi32, #tpu.memory_space<vmem>>, vector<16xi32>,
        %scan3A_134 = arith.constant 0 : i32
        scf.yield %scan3A_134 : i32
      }
      %scan3A_98 = arith.constant 16 : i32
      %add3A_99 = arith.constant 15 : i32
      %add3A_100 = vector.broadcast %add3A_99 : i32 to vector<16xi32>
      %add3A_101 = arith.addi %mul3A_57, %add3A_100 : vector<16xi32>
      "tpu.trace_start"() <{level = 10 : i32, message = "collapse"}> : () -> ()
      %sub3A_102 = arith.constant 1 : i32
      %sub3A_103 = vector.broadcast %sub3A_102 : i32 to vector<16xi32>
      %sub3A_104 = arith.subi %mul3A_57, %sub3A_103 : vector<16xi32>
      %scan3A_105 = arith.constant 0 : i32
      %scan3A_106 = arith.constant 13 : i32
      %scan3A_107 = arith.addi %scan3A_105, %scan3A_106 : i32
      %scan3A_108 = arith.constant 1 : i32
      %scan3A_109:2 = scf.for %scan3A_126 = %scan3A_105 to %scan3A_107 step %scan3A_108 iter_args(%scan3A_127 = %mul3A_57, %scan3A_128 = %sub3A_104) -> (vector<16xi32>, vector<16xi32>)  : i32 {
        %mul3A_129 = arith.constant 16 : i32
        %mul3A_130 = arith.muli %scan3A_126, %mul3A_129 : i32
        %get3A_131 = arith.index_cast %mul3A_130 : i32 to index
        %get3A_132 = tpu.vector_load %arg11[%get3A_131] {strides = array<i32>} : memref<256xi32, #tpu.memory_space<vmem>>, vector<16xi32>,
        %ne3A = arith.constant 0 : i32
        %ne3A_133 = vector.broadcast %ne3A : i32 to vector<16xi32>
        %ne3A_134 = arith.cmpi ne, %get3A_132, %ne3A_133 : vector<16xi32>
        %add3A_135 = vector.broadcast %mul3A_130 : i32 to vector<16xi32>
        %add3A_136 = arith.addi %iota3A, %add3A_135 : vector<16xi32>
        %jit3A_137 = arith.constant -1 : i32
        %broadcast_in_dim3A_138 = vector.broadcast %jit3A_137 : i32 to vector<16xi32>
        %select_n3A_139 = arith.select %ne3A_134, %add3A_136, %broadcast_in_dim3A_138 : vector<16xi1>, vector<16xi32>
        %broadcast_in_dim3A_140 = arith.constant true
        %broadcast_in_dim3A_141 = vector.broadcast %broadcast_in_dim3A_140 : i1 to vector<16xi1>
        %masked_cummax3A = arith.constant -2147483648 : i32
        %masked_cummax3A_142 = vector.broadcast %masked_cummax3A : i32 to vector<16xi32>
        %masked_cummax3A_143 = arith.xori %select_n3A_139, %masked_cummax3A_142 : vector<16xi32>
        %masked_cummax3A_144 = tpu.scan <max>, %masked_cummax3A_143 masked %broadcast_in_dim3A_141 : vector<16xi32>, vector<16xi1> -> vector<16xi32>
        %masked_cummax3A_145 = arith.xori %masked_cummax3A_144, %masked_cummax3A_142 : vector<16xi32>
        %max3A = arith.maxsi %masked_cummax3A_145, %scan3A_128 : vector<16xi32>
        %eq3A_146 = arith.constant 0 : i32
        %eq3A_147 = vector.broadcast %eq3A_146 : i32 to vector<16xi32>
        %eq3A_148 = arith.cmpi eq, %iota3A, %eq3A_147 : vector<16xi32>
        %sub3A_149 = arith.constant 1 : i32
        %sub3A_150 = vector.broadcast %sub3A_149 : i32 to vector<16xi32>
        %sub3A_151 = arith.subi %iota3A, %sub3A_150 : vector<16xi32>
        %max3A_152 = arith.constant 0 : i32
        %max3A_153 = vector.broadcast %max3A_152 : i32 to vector<16xi32>
        %max3A_154 = arith.maxsi %sub3A_151, %max3A_153 : vector<16xi32>
        %reshape3A_155 = vector.shape_cast %max3A_154 : vector<16xi32> to vector<16x1xi32>
        %gather3A_156 = vector.shape_cast %reshape3A_155 : vector<16x1xi32> to vector<16xi32>
        %gather3A_157 = tpu.dynamic_gather %max3A[%gather3A_156] in [0] : vector<16xi32>, vector<16xi32> -> vector<16xi32>
        %select_n3A_158 = arith.select %eq3A_148, %scan3A_128, %gather3A_157 : vector<16xi1>, vector<16xi32>
        %max3A_159 = arith.constant 0 : i32
        %max3A_160 = vector.broadcast %max3A_159 : i32 to vector<16xi32>
        %max3A_161 = arith.maxsi %select_n3A_158, %max3A_160 : vector<16xi32>
        %gather3A_162 = tpu.vector_load_idx %arg11[%max3A_161] : memref<256xi32, #tpu.memory_space<vmem>>[vector<16xi32>], vector<16xi32>,
        %lt3A_163 = arith.constant 0 : i32
        %lt3A_164 = vector.broadcast %lt3A_163 : i32 to vector<16xi32>
        %lt3A_165 = arith.cmpi slt, %select_n3A_158, %lt3A_164 : vector<16xi32>
        %jit3A_166 = arith.constant -1 : i32
        %broadcast_in_dim3A_167 = vector.broadcast %jit3A_166 : i32 to vector<16xi32>
        %select_n3A_168 = arith.select %lt3A_165, %broadcast_in_dim3A_167, %gather3A_162 : vector<16xi1>, vector<16xi32>
        %ne3A_169 = arith.constant 0 : i32
        %ne3A_170 = vector.broadcast %ne3A_169 : i32 to vector<16xi32>
        %ne3A_171 = arith.cmpi ne, %get3A_132, %ne3A_170 : vector<16xi32>
        %ne3A_172 = arith.cmpi ne, %get3A_132, %select_n3A_168 : vector<16xi32>
        %and3A_173 = arith.andi %ne3A_171, %ne3A_172 : vector<16xi1>
        %convert_element_type3A_174 = arith.extui %and3A_173 : vector<16xi1> to vector<16xi32>
        %broadcast_in_dim3A_175 = arith.constant true
        %broadcast_in_dim3A_176 = vector.broadcast %broadcast_in_dim3A_175 : i1 to vector<16xi1>
        %masked_cumsum3A = tpu.scan <sum>, %convert_element_type3A_174 masked %broadcast_in_dim3A_176 : vector<16xi32>, vector<16xi1> -> vector<16xi32>
        %add3A_177 = arith.addi %scan3A_127, %masked_cumsum3A : vector<16xi32>
        %sub3A_178 = arith.constant 1 : i32
        %sub3A_179 = vector.broadcast %sub3A_178 : i32 to vector<16xi32>
        %sub3A_180 = arith.subi %add3A_177, %sub3A_179 : vector<16xi32>
        %jit3A_181 = arith.constant 255 : i32
        %broadcast_in_dim3A_182 = vector.broadcast %jit3A_181 : i32 to vector<16xi32>
        %select_n3A_183 = arith.select %and3A_173, %sub3A_180, %broadcast_in_dim3A_182 : vector<16xi1>, vector<16xi32>
        tpu.vector_store_idx %arg12[%select_n3A_183], %get3A_132 masked %and3A_173 : memref<256xi32, #tpu.memory_space<vmem>>[vector<16xi32>], vector<16xi32>, vector<16xi1>
        %reshape3A_184 = vector.shape_cast %add3A_101 : vector<16xi32> to vector<16x1xi32>
        %gather3A_185 = vector.shape_cast %reshape3A_184 : vector<16x1xi32> to vector<16xi32>
        %gather3A_186 = tpu.dynamic_gather %masked_cumsum3A[%gather3A_185] in [0] : vector<16xi32>, vector<16xi32> -> vector<16xi32>
        %add3A_187 = arith.addi %scan3A_127, %gather3A_186 : vector<16xi32>
        %reshape3A_188 = vector.shape_cast %add3A_101 : vector<16xi32> to vector<16x1xi32>
        %gather3A_189 = vector.shape_cast %reshape3A_188 : vector<16x1xi32> to vector<16xi32>
        %gather3A_190 = tpu.dynamic_gather %max3A[%gather3A_189] in [0] : vector<16xi32>, vector<16xi32> -> vector<16xi32>
        scf.yield %add3A_187, %gather3A_190 : vector<16xi32>, vector<16xi32>
      }
      %scan3A_110 = arith.constant 13 : i32
      "tpu.trace_stop"() : () -> ()
      %reshape3A = vector.shape_cast %mul3A_57 : vector<16xi32> to vector<16x1xi32>
      %gather3A = vector.shape_cast %reshape3A : vector<16x1xi32> to vector<16xi32>
      %gather3A_111 = tpu.dynamic_gather %scan3A_84[%gather3A] in [0] : vector<16xf32>, vector<16xi32> -> vector<16xf32>
      %bitcast3A = vector.bitcast %gather3A_111 : vector<16xf32> to vector<16xi32>
      "tpu.region"() ({
        %run_scoped3A = tpu.sem_alloc : memref<!tpu.dma_semaphore, #tpu.memory_space<semaphore_mem>>
        %dma_start3A = arith.constant 0 : i32
        %dma_start3A_126 = tpu.memref_slice %arg3[%add3A, %dma_start3A] : memref<8x256xi32, #tpu.memory_space<hbm>> -> memref<1x256xi32, #tpu.memory_space<hbm>>
        %dma_start3A_127 = tpu.memref_squeeze %dma_start3A_126 : memref<1x256xi32, #tpu.memory_space<hbm>> -> memref<256xi32, #tpu.memory_space<hbm>>
        %dma_start3A_128 = arith.constant 0 : i32
        %dma_start3A_129 = tpu.memref_slice %arg3[%add3A, %dma_start3A_128] : memref<8x256xi32, #tpu.memory_space<hbm>> -> memref<1x256xi32, #tpu.memory_space<hbm>>
        %dma_start3A_130 = tpu.memref_squeeze %dma_start3A_129 : memref<1x256xi32, #tpu.memory_space<hbm>> -> memref<256xi32, #tpu.memory_space<hbm>>
        tpu.enqueue_dma source(%arg12 : memref<256xi32, #tpu.memory_space<vmem>>) target(%dma_start3A_130 : memref<256xi32, #tpu.memory_space<hbm>>) target_semaphore(%run_scoped3A : memref<!tpu.dma_semaphore, #tpu.memory_space<semaphore_mem>>)
        %dma_wait3A = arith.constant 0 : i32
        %dma_wait3A_131 = tpu.memref_slice %arg3[%add3A, %dma_wait3A] : memref<8x256xi32, #tpu.memory_space<hbm>> -> memref<1x256xi32, #tpu.memory_space<hbm>>
        %dma_wait3A_132 = tpu.memref_squeeze %dma_wait3A_131 : memref<1x256xi32, #tpu.memory_space<hbm>> -> memref<256xi32, #tpu.memory_space<hbm>>
        %dma_wait3A_133 = arith.constant 0 : i32
        %dma_wait3A_134 = tpu.memref_slice %arg3[%add3A, %dma_wait3A_133] : memref<8x256xi32, #tpu.memory_space<hbm>> -> memref<1x256xi32, #tpu.memory_space<hbm>>
        %dma_wait3A_135 = tpu.memref_squeeze %dma_wait3A_134 : memref<1x256xi32, #tpu.memory_space<hbm>> -> memref<256xi32, #tpu.memory_space<hbm>>
        tpu.wait_dma2 semaphore(%run_scoped3A : memref<!tpu.dma_semaphore, #tpu.memory_space<semaphore_mem>>) src(%arg12 : memref<256xi32, #tpu.memory_space<vmem>>) dst(%dma_wait3A_135 : memref<256xi32, #tpu.memory_space<hbm>>)
        tpu.yield
      }) : () -> ()
      %eq3A_112 = arith.constant 0 : i32
      %eq3A_113 = vector.broadcast %eq3A_112 : i32 to vector<16xi32>
      %eq3A_114 = arith.cmpi eq, %iota3A, %eq3A_113 : vector<16xi32>
      %eq3A_115 = arith.constant 1 : i32
      %eq3A_116 = vector.broadcast %eq3A_115 : i32 to vector<16xi32>
      %eq3A_117 = arith.cmpi eq, %iota3A, %eq3A_116 : vector<16xi32>
      %jit3A_118 = arith.constant 0 : i32
      %broadcast_in_dim3A_119 = vector.broadcast %jit3A_118 : i32 to vector<16xi32>
      %select_n3A_120 = arith.select %eq3A_117, %bitcast3A, %broadcast_in_dim3A_119 : vector<16xi1>, vector<16xi32>
      %select_n3A_121 = arith.select %eq3A_114, %scan3A_109#0, %select_n3A_120 : vector<16xi1>, vector<16xi32>
      %swap3A_122 = arith.constant 0 : index
      %swap3A_123 = tpu.vector_load %arg13[%swap3A_122] {strides = array<i32>} : memref<16xi32, #tpu.memory_space<vmem>>, vector<16xi32>,
      tpu.vector_store %arg13[%swap3A_122], %select_n3A_121 {strides = array<i32>} : memref<16xi32, #tpu.memory_space<vmem>>, vector<16xi32>,
      %mul3A_124 = arith.constant 16 : i32
      %mul3A_125 = arith.muli %add3A, %mul3A_124 : i32
      "tpu.region"() ({
        %run_scoped3A = tpu.sem_alloc : memref<!tpu.dma_semaphore, #tpu.memory_space<semaphore_mem>>
        %dma_start3A = tpu.memref_slice %arg17[%mul3A_125] : memref<256xi32, #tpu.memory_space<vmem_shared>> -> memref<16xi32, #tpu.memory_space<vmem_shared>>
        %dma_start3A_126 = tpu.memref_slice %arg17[%mul3A_125] : memref<256xi32, #tpu.memory_space<vmem_shared>> -> memref<16xi32, #tpu.memory_space<vmem_shared>>
        tpu.enqueue_dma source(%arg13 : memref<16xi32, #tpu.memory_space<vmem>>) target(%dma_start3A_126 : memref<16xi32, #tpu.memory_space<vmem_shared>>) target_semaphore(%run_scoped3A : memref<!tpu.dma_semaphore, #tpu.memory_space<semaphore_mem>>)
        %dma_wait3A = tpu.memref_slice %arg17[%mul3A_125] : memref<256xi32, #tpu.memory_space<vmem_shared>> -> memref<16xi32, #tpu.memory_space<vmem_shared>>
        %dma_wait3A_127 = tpu.memref_slice %arg17[%mul3A_125] : memref<256xi32, #tpu.memory_space<vmem_shared>> -> memref<16xi32, #tpu.memory_space<vmem_shared>>
        tpu.wait_dma2 semaphore(%run_scoped3A : memref<!tpu.dma_semaphore, #tpu.memory_space<semaphore_mem>>) src(%arg13 : memref<16xi32, #tpu.memory_space<vmem>>) dst(%dma_wait3A_127 : memref<16xi32, #tpu.memory_space<vmem_shared>>)
        tpu.yield
      }) : () -> ()
    } else {
    }
    %barrier3A = arith.constant 0 : index
    tpu.barrier barrier_id(%barrier3A)
    %eq3A = arith.constant 0 : i32
    %eq3A_3 = arith.cmpi eq, %add3A, %eq3A : i32
    %convert_element_type3A_4 = arith.extui %eq3A_3 : i1 to i32
    %cond3A_5 = arith.constant 0 : i32
    %cond3A_6 = arith.cmpi ne, %convert_element_type3A_4, %cond3A_5 : i32
    scf.if %cond3A_6 {
      %iota3A = tpu.iota {dimensions = array<i32: 0>} : vector<16xi32>
      "tpu.region"() ({
        %run_scoped3A = tpu.sem_alloc : memref<!tpu.dma_semaphore, #tpu.memory_space<semaphore_mem>>
        tpu.enqueue_dma source(%arg17 : memref<256xi32, #tpu.memory_space<vmem_shared>>) target(%arg14 : memref<256xi32, #tpu.memory_space<vmem>>) target_semaphore(%run_scoped3A : memref<!tpu.dma_semaphore, #tpu.memory_space<semaphore_mem>>)
        tpu.wait_dma2 semaphore(%run_scoped3A : memref<!tpu.dma_semaphore, #tpu.memory_space<semaphore_mem>>) src(%arg17 : memref<256xi32, #tpu.memory_space<vmem_shared>>) dst(%arg14 : memref<256xi32, #tpu.memory_space<vmem>>)
        tpu.yield
      }) : () -> ()
      %mul3A_7 = arith.constant 16 : i32
      %mul3A_8 = vector.broadcast %mul3A_7 : i32 to vector<16xi32>
      %mul3A_9 = arith.muli %iota3A, %mul3A_8 : vector<16xi32>
      %gather3A = tpu.vector_load_idx %arg14[%mul3A_9] : memref<256xi32, #tpu.memory_space<vmem>>[vector<16xi32>], vector<16xi32>,
      %swap3A = arith.constant 0 : index
      %swap3A_10 = tpu.vector_load %arg15[%swap3A] {strides = array<i32>} : memref<16xi32, #tpu.memory_space<vmem>>, vector<16xi32>,
      tpu.vector_store %arg15[%swap3A], %gather3A {strides = array<i32>} : memref<16xi32, #tpu.memory_space<vmem>>, vector<16xi32>,
      %mul3A_11 = arith.constant 16 : i32
      %mul3A_12 = vector.broadcast %mul3A_11 : i32 to vector<16xi32>
      %mul3A_13 = arith.muli %iota3A, %mul3A_12 : vector<16xi32>
      %add3A_14 = arith.constant 1 : i32
      %add3A_15 = vector.broadcast %add3A_14 : i32 to vector<16xi32>
      %add3A_16 = arith.addi %mul3A_13, %add3A_15 : vector<16xi32>
      %gather3A_17 = tpu.vector_load_idx %arg14[%add3A_16] : memref<256xi32, #tpu.memory_space<vmem>>[vector<16xi32>], vector<16xi32>,
      %bitcast3A = vector.bitcast %gather3A_17 : vector<16xi32> to vector<16xf32>
      %swap3A_18 = arith.constant 0 : index
      %swap3A_19 = tpu.vector_load %arg16[%swap3A_18] {strides = array<i32>} : memref<16xf32, #tpu.memory_space<vmem>>, vector<16xf32>,
      tpu.vector_store %arg16[%swap3A_18], %bitcast3A {strides = array<i32>} : memref<16xf32, #tpu.memory_space<vmem>>, vector<16xf32>,
      "tpu.region"() ({
        %run_scoped3A = tpu.sem_alloc : memref<!tpu.dma_semaphore, #tpu.memory_space<semaphore_mem>>
        %dma_start3A = arith.constant 0 : i32
        %dma_start3A_20 = tpu.memref_slice %arg15[%dma_start3A] : memref<16xi32, #tpu.memory_space<vmem>> -> memref<8xi32, #tpu.memory_space<vmem>>
        %dma_start3A_21 = arith.constant 0 : i32
        %dma_start3A_22 = tpu.memref_slice %arg15[%dma_start3A_21] : memref<16xi32, #tpu.memory_space<vmem>> -> memref<8xi32, #tpu.memory_space<vmem>>
        tpu.enqueue_dma source(%dma_start3A_22 : memref<8xi32, #tpu.memory_space<vmem>>) target(%arg4 : memref<8xi32, #tpu.memory_space<hbm>>) target_semaphore(%run_scoped3A : memref<!tpu.dma_semaphore, #tpu.memory_space<semaphore_mem>>)
        %dma_wait3A = arith.constant 0 : i32
        %dma_wait3A_23 = tpu.memref_slice %arg15[%dma_wait3A] : memref<16xi32, #tpu.memory_space<vmem>> -> memref<8xi32, #tpu.memory_space<vmem>>
        %dma_wait3A_24 = arith.constant 0 : i32
        %dma_wait3A_25 = tpu.memref_slice %arg15[%dma_wait3A_24] : memref<16xi32, #tpu.memory_space<vmem>> -> memref<8xi32, #tpu.memory_space<vmem>>
        tpu.wait_dma2 semaphore(%run_scoped3A : memref<!tpu.dma_semaphore, #tpu.memory_space<semaphore_mem>>) src(%dma_wait3A_25 : memref<8xi32, #tpu.memory_space<vmem>>) dst(%arg4 : memref<8xi32, #tpu.memory_space<hbm>>)
        tpu.yield
      }) : () -> ()
      "tpu.region"() ({
        %run_scoped3A = tpu.sem_alloc : memref<!tpu.dma_semaphore, #tpu.memory_space<semaphore_mem>>
        %dma_start3A = arith.constant 0 : i32
        %dma_start3A_20 = tpu.memref_slice %arg16[%dma_start3A] : memref<16xf32, #tpu.memory_space<vmem>> -> memref<8xf32, #tpu.memory_space<vmem>>
        %dma_start3A_21 = arith.constant 0 : i32
        %dma_start3A_22 = tpu.memref_slice %arg16[%dma_start3A_21] : memref<16xf32, #tpu.memory_space<vmem>> -> memref<8xf32, #tpu.memory_space<vmem>>
        tpu.enqueue_dma source(%dma_start3A_22 : memref<8xf32, #tpu.memory_space<vmem>>) target(%arg5 : memref<8xf32, #tpu.memory_space<hbm>>) target_semaphore(%run_scoped3A : memref<!tpu.dma_semaphore, #tpu.memory_space<semaphore_mem>>)
        %dma_wait3A = arith.constant 0 : i32
        %dma_wait3A_23 = tpu.memref_slice %arg16[%dma_wait3A] : memref<16xf32, #tpu.memory_space<vmem>> -> memref<8xf32, #tpu.memory_space<vmem>>
        %dma_wait3A_24 = arith.constant 0 : i32
        %dma_wait3A_25 = tpu.memref_slice %arg16[%dma_wait3A_24] : memref<16xf32, #tpu.memory_space<vmem>> -> memref<8xf32, #tpu.memory_space<vmem>>
        tpu.wait_dma2 semaphore(%run_scoped3A : memref<!tpu.dma_semaphore, #tpu.memory_space<semaphore_mem>>) src(%dma_wait3A_25 : memref<8xf32, #tpu.memory_space<vmem>>) dst(%arg5 : memref<8xf32, #tpu.memory_space<hbm>>)
        tpu.yield
      }) : () -> ()
    } else {
    }
    return
  }
}

</mosaic_0001>

<sc_bundles>
// kernel: _sc_decode.3.cloned.1.call-start
scs
__scs_entry_jumppad:
0x0: {  	(pc) =	sbr.rel $0x88, $3  }
0x1: {  	(tag) =	ssettag $0x0;
	lr =	simm.s32 $0x1  }
0x2: {  	[smem:$0x3FA0] =	sst lr;
	_ =	strace $0xD0000000  }
0x3: {  	_ = 	snop  }
0x4: {  	_ = 	snop  }
0x5: {  	_ = 	snop  }
0x6: {  	_ = 	snop  }
0x7: {  	_ = 	snop  }
__scs_overlays_trampoline_lowered:
0x8: {  	[smem:$0x3FAF] =	sst s0  }
0x9: {  	[smem:$0x3FB0] =	sst s1  }
0xa: {  	[smem:$0x3FB1] =	sst s2  }
0xb: {  	[smem:$0x3FB2] =	sst s3  }
0xc: {  	[smem:$0x3FB3] =	sst s4  }
0xd: {  	[smem:$0x3FB4] =	sst s5  }
0xe: {  	[smem:$0x3FB5] =	sst s6  }
0xf: {  	[smem:$0x3FB6] =	sst s7  }
0x10: {  	[smem:$0x3FB7] =	sst s8  }
0x11: {  	[smem:$0x3FB8] =	sst s9;
	s0 =	simm.s32 @!p0 $0x0  }
0x12: {  	s1 =	sld [smem:$0x3F9E];
	s0 =	simm.s32 @p0 $0x1  }
0x13: {  	[smem:$0x3FB9] =	sst s0;
	s0 =	simm.s32 @!p1 $0x0  }
0x14: {  	s2 =	sld [smem:$0x3F9D];
	s0 =	simm.s32 @p1 $0x1  }
0x15: {  	[smem:$0x3FBA] =	sst s0;
	s0 =	simm.s32 @!p2 $0x0  }
0x16: {  	s3 =	sld [smem:$0x3FDB];
	s0 =	simm.s32 @p2 $0x1  }
0x17: {  	s4 =	simm.s32 $0x1BF5;
	[smem:$0x3FBC] =	sst s0  }
0x18: {  	s0 =	sld [smem:$0x3F9F];
	_ =	swait.ge [sflag:s4], $0x0  }
0x19: {  	s7 =	sld [smem:$0x3FA0]  }
0x1a: {  	s8 =	sadd.s32 $0xFFFFE003, lr  }
0x1b: {  	s9 =	sadd.s32 $0xFFFFFEF7, lr;
	s5 =	simm.s32 $0xFFFFFFFF;
	p2 =	slt.u32 s8, $0xFFFFF086  }
0x1c: {  	p1 =	slt.u32 s9, $0xF7A;
	s5 =	simm.s32 @!p2 $0x0  }
0x1d: {  	s5 =	simm.s32 @p1 $0x1;
	p0 =	seq.s32 s7, s2  }
0x1e: {  	s7 =	smul.u32 @!p0 $0xF7A, s2;
	p2 =	seq.s32 @!p0 s5, $0x0  }
0x1f: {  	s9 =	smul.u32 $0xF7A, s1;
	s8 =	simm.s32 @!p0 $0x1BF5;
	p2 =	por !p2, p0  }
0x20: {  	[sflag:s8] =	ssyncset.s32 @!p0 $0xFFFFF086;
	s6 =	sadd.s32 @!p0 s3, s7;
	s7 =	simm.s32 @!p0 $0x108  }
0x21: {  	s3 =	sadd.s32 s3, s9;
	s6 =	sadd.s32 @!p0 $0x88, s6;
	s7 =	simm.s32 @p2 $0x1082  }
0x22: {  	[simem:s7], [sflag:s8] =	dma.local @!p0 [hbm:s6], $0xF7A  }
0x23: {  	s9 =	sor.u32 $0xD0000000, s2;
	s6 =	simm.s32 $0x108;
	_ =	swait.ge @!p0 [sflag:s8], $0x0  }
0x24: {  	s3 =	sadd.s32 $0x88, s3;
	s6 =	simm.s32 @!p1 $0x1082;
	[sflag:s4] =	ssyncset.s32 $0xFFFFF086  }
0x25: {  	[simem:s6], [sflag:s4] =	dma.local [hbm:s3], $0xF7A  }
0x26: {  	[smem:$0x3FA0] =	sst s1;
	(tag) =	ssettag s2;
	_ =	strace s9  }
0x27: {  	s1 =	sld [smem:$0x3FB0]  }
0x28: {  	s2 =	sld [smem:$0x3FB1]  }
0x29: {  	s4 =	sld [smem:$0x3FB3]  }
0x2a: {  	p0 =	seq.s32 s5, $0x0;
	s5 =	sld [smem:$0x3FB4]  }
0x2b: {  	s6 =	sld [smem:$0x3FB5]  }
0x2c: {  	s7 =	sld [smem:$0x3FB6]  }
0x2d: {  	s3 =	simm.s32 $0x108;
	s8 =	sld [smem:$0x3FB7]  }
0x2e: {  	s3 =	simm.s32 @!p0 $0x1082;
	s9 =	sld [smem:$0x3FB8]  }
0x2f: {  	lr =	sadd.s32 s0, s3;
	s0 =	sld [smem:$0x3FAF]  }
0x30: {  	s3 =	sld [smem:$0x3FB2]  }
0x31: {  	[smem:$0x3FBB] =	sst s10  }
0x32: {  	s10 =	sld [smem:$0x3FB9];
	_ =	sdelay $0x3  }
0x33: {  	p0 =	seq.s32 s10, $0x1;
	s10 =	sld [smem:$0x3FBB];
	_ =	sdelay $0x3  }
0x34: {  	[smem:$0x3FBB] =	sst s10  }
0x35: {  	s10 =	sld [smem:$0x3FBA];
	_ =	sdelay $0x3  }
0x36: {  	p1 =	seq.s32 s10, $0x1;
	s10 =	sld [smem:$0x3FBB];
	_ =	sdelay $0x3  }
0x37: {  	[smem:$0x3FBB] =	sst s10  }
0x38: {  	s10 =	sld [smem:$0x3FBC]  }
0x39: {  	_ = 	snop;
	(pc) =	sbr.ind lr, $3  }
0x3a: {  	_ = 	snop  }
0x3b: {  	_ = 	snop  }
0x3c: {  	p2 =	seq.s32 s10, $0x1;
	s10 =	sld [smem:$0x3FBB]  }
0x3d: {  	_ =	shalt  }
0x3e: {  	_ =	shalt  }
0x3f: {  	_ =	shalt  }
0x40: {  	_ =	shalt  }
0x41: {  	_ =	shalt  }
0x42: {  	_ =	shalt  }
0x43: {  	_ =	shalt  }
0x44: {  	_ =	shalt  }
0x45: {  	_ =	shalt  }
0x46: {  	_ =	shalt  }
0x47: {  	_ =	shalt  }
0x48: {  	_ =	shalt  }
0x49: {  	_ =	shalt  }
0x4a: {  	_ =	shalt  }
0x4b: {  	_ =	shalt  }
0x4c: {  	_ =	shalt  }
0x4d: {  	_ =	shalt  }
0x4e: {  	_ =	shalt  }
0x4f: {  	_ =	shalt  }
0x50: {  	_ =	shalt  }
0x51: {  	_ =	shalt  }
0x52: {  	_ =	shalt  }
0x53: {  	_ =	shalt  }
0x54: {  	_ =	shalt  }
0x55: {  	_ =	shalt  }
0x56: {  	_ =	shalt  }
0x57: {  	_ =	shalt  }
0x58: {  	_ =	shalt  }
0x59: {  	_ =	shalt  }
0x5a: {  	_ =	shalt  }
0x5b: {  	_ =	shalt  }
0x5c: {  	_ =	shalt  }
0x5d: {  	_ =	shalt  }
0x5e: {  	_ =	shalt  }
0x5f: {  	_ =	shalt  }
0x60: {  	_ =	shalt  }
0x61: {  	_ =	shalt  }
0x62: {  	_ =	shalt  }
0x63: {  	_ =	shalt  }
0x64: {  	_ =	shalt  }
0x65: {  	_ =	shalt  }
0x66: {  	_ =	shalt  }
0x67: {  	_ =	shalt  }
0x68: {  	_ =	shalt  }
0x69: {  	_ =	shalt  }
0x6a: {  	_ =	shalt  }
0x6b: {  	_ =	shalt  }
0x6c: {  	_ =	shalt  }
0x6d: {  	_ =	shalt  }
0x6e: {  	_ =	shalt  }
0x6f: {  	_ =	shalt  }
0x70: {  	_ =	shalt  }
0x71: {  	_ =	shalt  }
0x72: {  	_ =	shalt  }
0x73: {  	_ =	shalt  }
0x74: {  	_ =	shalt  }
0x75: {  	_ =	shalt  }
0x76: {  	_ =	shalt  }
0x77: {  	_ =	shalt  }
0x78: {  	_ =	shalt  }
0x79: {  	_ =	shalt  }
0x7a: {  	_ =	shalt  }
0x7b: {  	_ =	shalt  }
0x7c: {  	_ =	shalt  }
0x7d: {  	_ =	shalt  }
0x7e: {  	_ =	shalt  }
0x7f: {  	_ =	shalt  }
0x80: {  	_ =	shalt  }
0x81: {  	_ =	shalt  }
0x82: {  	_ =	shalt  }
0x83: {  	_ =	shalt  }
0x84: {  	_ =	shalt  }
0x85: {  	_ =	shalt  }
0x86: {  	_ =	shalt  }
0x87: {  	_ =	shalt  }
.Lfunc_end0:
.L_simem_size_0:
called_computation_lowered:
.L_overlay_start_0:
0x88: {  	s0 =	sld [smem:$0x3FD9]  }
0x89: {  	s1 =	sld [smem:$0x3FFE];
	_ =	sdelay $0x3  }
0x8a: {  	s0 =	sadd.s32 s1, s0  }
0x8b: {  	[smem:$0x3FC7] =	sst s0  }
0x8c: {  	_ = 	snop  }
0x8d: {  	s0 =	sld [smem:$0x3FD0];
	_ =	sdelay $0x2  }
0x8e: {  	s13 =	simm.s32 $0xA;
	s2 =	simm.s32 $0x10  }
0x8f: {  	[smem:s2], [sflag:s13] =	dma.local [hbm:s0], $0x1  }
0x90: {  	_ =	swait.eq [sflag:s13], $0x1  }
0x91: {  	s14 =	sld [smem:$0x10];
	[sflag:s13] =	ssyncset.done $0x0  }
0x92: {  	s15 =	sld [smem:$0x11];
	[sflag:s13] =	ssyncadd.s32 $0xFFFFFFFF  }
0x93: {  	s16 =	sld [smem:$0x12];
	(tm) =	ssettm $0x1  }
0x94: {  	s3 =	sld [smem:$0x3FFB];
	_ =	sdelay $0x3  }
0x95: {  	_ =	strace s3  }
0x96: {  	s3 =	sld [smem:$0x3FFC];
	_ =	sdelay $0x3  }
0x97: {  	_ =	strace s3  }
0x98: {  	s3 =	sld [smem:$0x3FFD];
	_ =	sdelay $0x3  }
0x99: {  	_ =	strace s3  }
0x9a: {  	_ =	strace $0x8FFFFFFF  }
0x9b: {  	s17 =	sld [smem:$0x3FDB];
	_ =	sdelay $0x1  }
0x9c: {  	s4 =	simm.s32 $_scs_section_size  }
0x9d: {  	s5 =	simm.s32 $_size__tile_overlayer_lowered;
	s6 =	simm.s32 $_tile_overlayer_lowered  }
0x9e: {  	s20 =	simm.s32 $0x1BFF;
	s19 =	sshll.u32 s6, $0x1;
	s3 =	sadd.s32 s4, s17  }
0x9f: {  	s7 =	simm.s32 $0x0;
	s18 =	sshll.u32 s5, $0x1;
	s5 =	sadd.s32 s19, s3  }
0xa0: {  	[timem:s7], [sflag:s20] =	dma.local [hbm:s5], s18  }
0xa1: {  	_ =	swait.ge [sflag:s20], s18  }
0xa2: {  	s4 =	ssub.s32 $0x0, s18;
	[sflag:s20] =	ssyncset.done $0x0  }
0xa3: {  	[sflag:s20] =	ssyncadd.s32 s4;
	_ =	sdelay $0x1  }
0xa4: {  	s21 =	simm.s32 $0x1B8B  }
0xa5: {  	_ =	swait.ge [sflag:s21], $0x1  }
0xa6: {  	[sflag:s21] =	ssyncset.done $0x0  }
0xa7: {  	s23 =	simm.s32 $0x1B8E;
	s22 =	sld [smem:$0x3FFE];
	[sflag:s21] =	ssyncadd.s32 $0xFFFFFFFF  }
0xa8: {  	s24 =	simm.s32 $execute0_lowered;
	[smem:$0x3FD2] =	sst s23  }
0xa9: {  	s5 =	sshll.u32 s24, $0x1;
	_ =	strace $0x80000046;
	[dreg:$0x1] =	wrdreg $0xFFFFFFFF  }
0xaa: {  	s25 =	simm.s32 $_size_execute0_lowered;
	s3 =	sadd.s32 s3, s5;
	[dreg:$0x0] =	wrdreg $0x0  }
0xab: {  	s5 =	sshll.u32 s25, $0x1;
	[dreg:$0x2] =	wrdreg s3  }
0xac: {  	[dreg:$0x3] =	wrdreg s5  }
0xad: {  	[dreg:$0x4] =	wrdreg $0xC0  }
0xae: {  	_ =	task [dreg:s7], $0x5FFFF  }
0xaf: {  	[dreg:$0x1] =	wrdreg $0xFFFFFFFF  }
0xb0: {  	[dreg:$0x0] =	wrdreg $0x60  }
0xb1: {  	[dreg:$0x2] =	wrdreg s22  }
0xb2: {  	[dreg:$0x3] =	wrdreg s14  }
0xb3: {  	[dreg:$0x4] =	wrdreg s15  }
0xb4: {  	[dreg:$0x5] =	wrdreg s16  }
0xb5: {  	[dreg:$0x6] =	wrdreg $0x195000  }
0xb6: {  	[dreg:$0x7] =	wrdreg $0x9  }
0xb7: {  	_ =	task.clear_ibuf [dreg:s7], $0x8FFFF;
	_ =	strace $0x90000046  }
0xb8: {  	s26 =	simm.s32 $0x9;
	_ =	strace $0x8000004C  }
0xb9: {  	_ =	swait.ge [sflag:s26], $0x1  }
0xba: {  	[sflag:s26] =	ssyncadd.s32 $0xFFFFFFFF  }
0xbb: {  	_ =	strace $0x9000004C  }
0xbc: {  	_ =	sfence  }
0xbd: {  	s28 =	sld [smem:$0x0];
	_ =	sdelay $0x1  }
0xbe: {  	s29 =	srdreg.scid  }
0xbf: {  	s30 =	sshll.u32 s29, $0xD;
	s31 =	sshrl.u32 s29, $0x2  }
0xc0: {  	s1 =	sand.u32 $0x1, s29;
	s2 =	sand.u32 $0x4000, s30;
	s0 =	sadd.s32 s31, s28  }
0xc1: {  	s1 =	sor.u32 s2, s1;
	s0 =	sshll.u32 s0, $0x11  }
0xc2: {  	s0 =	sor.u32 s0, s1  }
0xc3: {  	s0 =	sadd.s32 $0x8F2B, s0  }
0xc4: {  	[sflag:s0] =	ssyncadd.remote.s32 $0x1  }
0xc5: {  	_ =	sfence.sel $0xFFFF  }
0xc6: {  	[dreg:$0x0] =	wrdreg $0xFFFFFFFF;
	(pc) =	sbr.abs _section_cstart, $3  }
0xc7: {  	[dreg:$0x1] =	wrdreg $0xFFFFFFFF  }
0xc8: {  	_ =	task.clear_ibuf [dreg:s7], $0x2FFFF;
	_ =	strace $0x9FFFFFFF  }
0xc9: {  	(tm) =	ssettm $0x7FFFFFFF  }
tec
execute0_lowered:
.L_overlay_start_1:
0x0: {  	(tag) =	ssettag $0x1  }
0x1: {  	s6 =	rddreg [dreg:$0x0];
	s1 =	stileid.u32  }
0x2: {  	s5 =	rddreg [dreg:$0x1];
	p0 =	slt.u32 s1, $0x8  }
.Ltmp0:
0x3: {  	s3 =	rddreg [dreg:$0x2];
	(pc) =	sbr.rel @!p0 .LBB2_1-.Ltmp0, $4  }
0x4: {  	s2 =	rddreg [dreg:$0x3]  }
0x5: {  	s4 =	rddreg [dreg:$0x4];
	s7 =	simm.s32 $0x0  }
0x6: {  	[smem:$0x7FF] =	sst s7  }
0x7: {  	s0 =	rddreg [dreg:$0x5];
	_ =	strace $0x80000047  }
0x8: {  	s8 =	smul.u32 $0xC80, s1  }
0x9: {  	s6 =	sadd.s32 $0x600, s6  }
0xa: {  	s31 =	simm.s32 $0x1;
	s6 =	sadd.s32 s6, s8  }
0xb: {  	[tilespmem:s7], [sflag:$0x1] =	stream.linear.gather [hbm4b:s6+s7], $0x6400, $0x38;
	[tilespmem:$0x19510] =	vst v63  }
0xc: {  	_ =	swait.ge [sflag:s31], $0x6400  }
0xd: {  	[sflag:s31] =	ssyncset.done $0x0  }
0xe: {  	[sflag:s31] =	ssyncadd.s32 $0xFFFF9C00  }
0xf: {  	s7 =	simm.s32 $0x0;
	_ =	strace $0x80000048  }
0x10: {  	v1 =	vld [tilespmem:s7+$0x10];
	_ =	sdelay $0x2  }
0x11: {  	v0 =	vlaneseq.u32;
	v3 =	vld [tilespmem:s7+$0x0]  }
0x12: {  	v2 =	vor.u32 $0x10, v0;
	s8 =	simm.s32 $0x80  }
0x13: {  	v4 =	vld [tilespmem:s8+$0x10];
	(xrf1) =	vsort.dscd.msk.f32 $0xffff, v1, v2  }
0x14: {  	v1 =	vld [tilespmem:s8+$0x0];
	_ =	sdelay $0x1  }
0x15: {  	s9 =	simm.s32 $0x100;
	(xrf1) =	vsort.dscd.msk.f32 $0xffff, v3, v0  }
0x16: {  	v3 =	vld [tilespmem:s9+$0x10]  }
0x17: {  	(xrf1) =	vsort.dscd.msk.f32 $0xffff, v4, v2  }
0x18: {  	(xrf1) =	vsort.dscd.msk.f32 $0xffff, v1, v0;
	v1 =	vimm.s32 $0xE40000  }
0x19: {  	v1 =	vunpack.c.l.s2.s4 v1;
	_ =	sdelay $0x1  }
0x1a: {  	v4 =	vld [tilespmem:s9+$0x0];
	(xrf1) =	vsort.dscd.msk.f32 $0xffff, v3, v2;
	v3 =	vimm.s32 $0x7060504;
	v1 =	vunpack.c.l.s4.s8 v1  }
0x1b: {  	v3 =	vunpack.c.0.s8.s32 v3  }
0x1c: {  	v1 =	vunpack.c.0.s8.s32 v1;
	_ =	sdelay $0x1  }
0x1d: {  	s10 =	simm.s32 $0x180;
	vm1 =	vcmask $0x3F30;
	v1 =	vand.u32 $0x3, v1  }
0x1e: {  	(xrf1) =	vsort.dscd.msk.f32 $0xffff, v4, v0;
	v4 =	vld [tilespmem:s10+$0x10];
	v1 =	vsel vm1, v3, v1;
	v3, v5, _ =	vpop (xrf1)  }
0x1f: {  	v5 =	vperm.xlane v5, v1  }
0x20: {  	v6 =	vld [tilespmem:s10+$0x0]  }
0x21: {  	s11 =	simm.s32 $0x200;
	v3 =	vperm.xlane v3, v1;
	v8, v9, _ =	vpop (xrf1)  }
0x22: {  	vm0 =	vmmov $0xff;
	v7 =	vld [tilespmem:s11+$0x10]  }
0x23: {  	(xrf1) =	vsort.dscd.msk.f32 $0xffff, v4, v2;
	v3 =	vsel vm0, v8, v3;
	v4 =	vsel vm0, v9, v5;
	v5, v8, _ =	vpop (xrf1)  }
0x24: {  	v9 =	vld [tilespmem:s11+$0x0];
	(xrf1) =	vsort.dscd.msk.f32 $0xffff, v3, v4;
	v3 =	vperm.xlane v5, v1  }
0x25: {  	(xrf1) =	vsort.dscd.msk.f32 $0xffff, v6, v0;
	v4 =	vperm.xlane v8, v1;
	v5, v6, _ =	vpop (xrf1)  }
0x26: {  	v5 =	vsel vm0, v5, v3  }
0x27: {  	(xrf1) =	vsort.dscd.msk.f32 $0xffff, v7, v2;
	v4 =	vsel vm0, v6, v4  }
0x28: {  	(xrf1) =	vsort.dscd.msk.f32 $0xffff, v5, v4  }
0x29: {  	v5, v6, _ =	vpop (xrf1);
	(xrf1) =	vsort.dscd.msk.f32 $0xffff, v9, v0;
	_ =	sdelay $0x1  }
0x2a: {  	s12 =	simm.s32 $0x280  }
0x2b: {  	v3 =	vld [tilespmem:s12+$0x10];
	_ =	sdelay $0x1  }
0x2c: {  	s13 =	sshll.u32 s1, $0x4  }
0x2d: {  	s6 =	sadd.s32 s5, s13;
	s5 =	sadd.s32 s13, s4;
	s13 =	simm.s32 $0xC00;
	v4 =	vld [tilespmem:s12+$0x0];
	v5 =	vperm.xlane v5, v1;
	v6 =	vperm.xlane v6, v1;
	v8, v7, _ =	vpop (xrf1)  }
.LBB2_3:
0x2e: {  	s14 =	sshra.s32 s13, $0x2  }
0x2f: {  	(xrf1) =	vsort.dscd.msk.f32 $0xffff, v3, v2;
	v8 =	vsel vm0, v8, v5;
	v10 =	vsel vm0, v7, v6;
	s15 =	smov.u32 s10;
	s10 =	smov.u32 s11;
	p0 =	sne.s32 s13, $0x18E00  }
.Ltmp1:
0x30: {  	s13 =	sadd.s32 $0x200, s13;
	v3 =	vld [tilespmem:s14+$0x10];
	(xrf1) =	vsort.dscd.msk.f32 $0xffff, v8, v10;
	(pc) =	sbr.rel @p0 .LBB2_3-.Ltmp1, $4  }
0x31: {  	s11 =	smov.u32 s12;
	s12 =	smov.u32 s14;
	v5, v6, _ =	vpop (xrf1)  }
0x32: {  	(xrf1) =	vsort.dscd.msk.f32 $0xffff, v4, v0;
	v9, v7, _ =	vpop (xrf1)  }
0x33: {  	v5 =	vperm.xlane v5, v1;
	v6 =	vperm.xlane v6, v1;
	v4 =	vld [tilespmem:s12+$0x0];
	[tilespmem:s7+$0xC800] =	vst v7;
	_ =	sdelay $0x1  }
0x34: {  	v8, v7, _ =	vpop (xrf1);
	[tilespmem:s7+$0x6400] =	vst v9;
	s7 =	smov.u32 s8;
	s8 =	smov.u32 s9;
	s9 =	smov.u32 s15  }
0x35: {  	(xrf1) =	vsort.dscd.msk.f32 $0xffff, v3, v2;
	v2 =	vsel vm0, v8, v5;
	v3 =	vsel vm0, v7, v6  }
0x36: {  	(xrf1) =	vsort.dscd.msk.f32 $0xffff, v2, v3  }
0x37: {  	(xrf1) =	vsort.dscd.msk.f32 $0xffff, v4, v0;
	_ =	sdelay $0x3  }
0x38: {  	v0, v2, _ =	vpop (xrf1)  }
0x39: {  	v3, v4, _ =	vpop (xrf1)  }
0x3a: {  	v0 =	vperm.xlane v0, v1;
	v5, v6, _ =	vpop (xrf1)  }
0x3b: {  	v2 =	vperm.xlane v2, v1;
	v7, v57, _ =	vpop (xrf1)  }
0x3c: {  	v0 =	vsel vm0, v5, v0;
	v9, v10, _ =	vpop (xrf1);
	v5 =	vperm.xlane v57, v1  }
0x3d: {  	v2 =	vsel vm0, v6, v2;
	v7 =	vperm.xlane v7, v1;
	v6, v58, _ =	vpop (xrf1)  }
0x3e: {  	v5 =	vsel vm0, v58, v5  }
0x3f: {  	(xrf1) =	vsort.dscd.msk.f32 $0xffff, v0, v2;
	v0 =	vsel vm0, v6, v7  }
0x40: {  	v2, v6, _ =	vpop (xrf1)  }
0x41: {  	v7, v59, _ =	vpop (xrf1);
	v2 =	vperm.xlane v2, v1;
	v1 =	vperm.xlane v6, v1  }
0x42: {  	(xrf1) =	vsort.dscd.msk.f32 $0xffff, v0, v5;
	v0, v5, _ =	vpop (xrf1)  }
0x43: {  	v0 =	vsel vm0, v0, v2;
	v1 =	vsel vm0, v5, v1  }
0x44: {  	(xrf1) =	vsort.dscd.msk.f32 $0xffff, v0, v1;
	_ =	sdelay $0x4  }
0x45: {  	[tilespmem:s7+$0xC800] =	vst v4  }
0x46: {  	[tilespmem:s7+$0x6400] =	vst v3  }
0x47: {  	[tilespmem:s8+$0xC800] =	vst v10  }
0x48: {  	[tilespmem:s8+$0x6400] =	vst v9  }
0x49: {  	[tilespmem:s9+$0xC800] =	vst v59  }
0x4a: {  	[tilespmem:s9+$0x6400] =	vst v7;
	v0, v1, _ =	vpop (xrf1)  }
0x4b: {  	[tilespmem:s10+$0xC800] =	vst v1  }
0x4c: {  	[tilespmem:s10+$0x6400] =	vst v0;
	v0, v1, _ =	vpop (xrf1)  }
0x4d: {  	[tilespmem:s11+$0xC800] =	vst v1  }
0x4e: {  	[tilespmem:s11+$0x6400] =	vst v0;
	v0, v1, _ =	vpop (xrf1)  }
0x4f: {  	[tilespmem:s12+$0xC800] =	vst v1  }
0x50: {  	[tilespmem:s12+$0x6400] =	vst v0  }
0x51: {  	_ =	strace $0x90000048  }
0x52: {  	v0 =	vld [tilespmem:$0xC800];
	_ =	sdelay $0x4  }
0x53: {  	[tilespmem:$0x12C00] =	vst v0;
	v0 =	vimm.s32 $0xFA550000  }
0x54: {  	_ =	strace $0x80000049;
	v0 =	vunpack.c.l.s2.s4 v0  }
0x55: {  	s7 =	simm.s32 $0x80;
	v1 =	vimm.s32 $0x76543210;
	v5 =	vld [tilespmem:$0x6400]  }
0x56: {  	v1 =	vunpack.c.l.s4.s8 v1;
	v6 =	vld [tilespmem:s7+$0x6400];
	v0 =	vunpack.c.l.s4.s8 v0  }
0x57: {  	v2 =	vimm.s32 $0x1000100;
	v7 =	vld [tilespmem:s7+$0xC800]  }
0x58: {  	v2 =	vunpack.c.0.s8.s32 v2;
	v1 =	vunpack.c.0.s8.s32 v1;
	v0 =	vunpack.c.0.s8.s32 v0  }
0x59: {  	vm2 =	vcmask $0x1F00;
	v3 =	vimm.s32 $0x60  }
0x5a: {  	v1 =	vsel vm1, v2, v1;
	v2 =	vsel vm2, $0x0, v3;
	v0 =	vand.u32 $0x3, v0  }
0x5b: {  	vm1 =	vcmask $0x2F20;
	v4 =	vperm.xlane v6, v1;
	v3 =	vperm.xlane v5, v0  }
0x5c: {  	vm2 =	vcmask $0x3730;
	v2 =	vsel vm1, $0x20, v2;
	v60 =	vperm.xlane v7, v1  }
0x5d: {  	v2 =	vsel vm2, $0x40, v2;
	v3 =	vadd.f32 v4, v3  }
0x5e: {  	v4 =	vadd.s32 v2, v60  }
0x5f: {  	(xrf1) =	vsort.dscd.msk.f32 $0xffff, v3, v4;
	_ =	sdelay $0x5  }
0x60: {  	v3 =	vimm.s32 $0x7060504  }
0x61: {  	v3 =	vunpack.c.0.s8.s32 v3  }
0x62: {  	v61 =	vimm.s32 $0xE0C0A080  }
0x63: {  	v8 =	vunpack.c.0.s8.s32 v61;
	v4 =	vimm.s32 $0x0;
	v3 =	vnsel vm1, $0x0, v3  }
0x64: {  	v6 =	vperm.xlane v6, v4;
	v5 =	vperm.xlane v5, v3  }
0x65: {  	v8 =	vand.u32 $0xFF, v8  }
0x66: {  	vm2 =	vcmask $0x2F00;
	v7 =	vperm.xlane v7, v4;
	v6 =	vadd.f32 v6, v5  }
0x67: {  	v5 =	vnsel vm2, $0x0, v8  }
0x68: {  	v7 =	vadd.s32 v5, v7;
	v6 =	vnsel vm1, $0xFF800000, v6;
	v63, v62, _ =	vpop (xrf1)  }
0x69: {  	v6 =	vsel vm0, v63, v6;
	v7 =	vsel vm0, v62, v7  }
0x6a: {  	(xrf1) =	vsort.dscd.msk.f32 $0xffff, v6, v7;
	_ =	sdelay $0x7  }
0x6b: {  	s8 =	simm.s32 $0x400  }
.LBB2_5:
0x6c: {  	s9 =	sshra.s32 s8, $0x2;
	p0 =	sne.s32 s8, $0x18E00  }
0x6d: {  	v6 =	vld [tilespmem:s9+$0x6400]  }
0x6e: {  	v7 =	vld [tilespmem:s9+$0xC800];
	_ =	sdelay $0x2  }
0x6f: {  	v8, v9, _ =	vpop (xrf1)  }
0x70: {  	v10 =	vperm.xlane v8, v0;
	v11 =	vperm.xlane v6, v1;
	[tilespmem:s7+$0x12C80] =	vst v9;
	s7 =	smov.u32 s9  }
0x71: {  	v9 =	vperm.xlane v7, v1  }
0x72: {  	v10 =	vadd.f32 v11, v10  }
0x73: {  	v9 =	vadd.s32 v2, v9  }
0x74: {  	(xrf1) =	vsort.dscd.msk.f32 $0xffff, v10, v9;
	_ =	sdelay $0x9  }
0x75: {  	v8 =	vperm.xlane v8, v3;
	v6 =	vperm.xlane v6, v4;
	_ =	sdelay $0x1  }
0x76: {  	v7 =	vperm.xlane v7, v4;
	v6 =	vadd.f32 v6, v8;
	_ =	sdelay $0x1  }
0x77: {  	v7 =	vadd.s32 v5, v7;
	v6 =	vnsel vm1, $0xFF800000, v6;
	v8, v9, _ =	vpop (xrf1)  }
0x78: {  	v6 =	vsel vm0, v8, v6;
	v7 =	vsel vm0, v9, v7  }
0x79: {  	(xrf1) =	vsort.dscd.msk.f32 $0xffff, v6, v7;
	_ =	sdelay $0x3  }
.Ltmp2:
0x7a: {  	(pc) =	sbr.rel @p0 .LBB2_5-.Ltmp2, $2  }
0x7b: {  	_ =	sdelay $0x2  }
0x7c: {  	s8 =	sadd.s32 $0x200, s8  }
0x7d: {  	_ =	sdelay $0x4  }
0x7e: {  	v0, v1, _ =	vpop (xrf1)  }
0x7f: {  	s22 =	simm.s32 $0xCF;
	[tilespmem:s7+$0x12C80] =	vst v1  }
0x80: {  	s7 =	smin.u32 s22, $0xC7;
	_ =	strace $0x90000049  }
0x81: {  	s7 =	sshll.u32 s7, $0x7;
	_ =	strace $0x8000004A  }
0x82: {  	v1 =	vld [tilespmem:s7+$0x12C80]  }
0x83: {  	s23 =	simm.s32 $0xCE  }
0x84: {  	s7 =	smin.u32 s23, $0xC7  }
0x85: {  	s7 =	sshll.u32 s7, $0x7  }
0x86: {  	v2 =	vimm.s32 $0x0;
	v3 =	vld [tilespmem:s7+$0x12C80]  }
0x87: {  	s24 =	simm.s32 $0xCD;
	v1 =	vperm.xlane v1, v2  }
0x88: {  	s7 =	smin.u32 s24, $0xC7  }
0x89: {  	p0 =	por $0x0, $0x0;
	s7 =	sshll.u32 s7, $0x7;
	v4 =	vshra.s32 v1, $0x5  }
0x8a: {  	v39 =	vld [tilespmem:s7+$0x12C80];
	v2 =	vpsel p0, v4, v2  }
0x8b: {  	s25 =	simm.s32 $0xCC;
	v3 =	vperm.xlane v3, v2  }
0x8c: {  	s7 =	smin.u32 s25, $0xC7  }
0x8d: {  	p5 =	por $0x0, $0x0;
	s7 =	sshll.u32 s7, $0x7;
	v5 =	vshra.s32 v3, $0x5  }
0x8e: {  	v40 =	vld [tilespmem:s7+$0x12C80];
	v2 =	vpsel p5, v5, v2  }
0x8f: {  	s26 =	simm.s32 $0xCB;
	v4 =	vperm.xlane v39, v2  }
0x90: {  	s7 =	smin.u32 s26, $0xC7  }
0x91: {  	p6 =	por $0x0, $0x0;
	s7 =	sshll.u32 s7, $0x7;
	v6 =	vshra.s32 v4, $0x5  }
0x92: {  	v41 =	vld [tilespmem:s7+$0x12C80];
	v2 =	vpsel p6, v6, v2  }
0x93: {  	s28 =	simm.s32 $0xCA;
	v5 =	vperm.xlane v40, v2  }
0x94: {  	s7 =	smin.u32 s28, $0xC7  }
0x95: {  	p1 =	por $0x0, $0x0;
	s7 =	sshll.u32 s7, $0x7;
	v7 =	vshra.s32 v5, $0x5  }
0x96: {  	v42 =	vld [tilespmem:s7+$0x12C80];
	v2 =	vpsel p1, v7, v2  }
0x97: {  	s29 =	simm.s32 $0xC9;
	v6 =	vperm.xlane v41, v2  }
0x98: {  	s7 =	smin.u32 s29, $0xC7  }
0x99: {  	p2 =	por $0x0, $0x0;
	s7 =	sshll.u32 s7, $0x7;
	v8 =	vshra.s32 v6, $0x5  }
0x9a: {  	v43 =	vld [tilespmem:s7+$0x12C80];
	v2 =	vpsel p2, v8, v2  }
0x9b: {  	s30 =	simm.s32 $0xC8;
	v7 =	vperm.xlane v42, v2  }
0x9c: {  	s7 =	smin.u32 s30, $0xC7  }
0x9d: {  	p3 =	por $0x0, $0x0;
	s7 =	sshll.u32 s7, $0x7;
	v9 =	vshra.s32 v7, $0x5  }
0x9e: {  	v44 =	vld [tilespmem:s7+$0x12C80];
	v2 =	vpsel p3, v9, v2  }
0x9f: {  	v8 =	vperm.xlane v43, v2;
	_ =	sdelay $0x1  }
0xa0: {  	s31 =	simm.s32 $0x18C80;
	p4 =	por $0x0, $0x0;
	v10 =	vshra.s32 v8, $0x5  }
0xa1: {  	vm3 =	vmxor vm3, vm3;
	v45 =	vld [tilespmem:s31+$0x380];
	v2 =	vpsel p4, v10, v2  }
0xa2: {  	vm0 =	vcmask $0x3B20;
	vm4 =	vcmask $0x3B38;
	v9 =	vperm.xlane v44, v2  }
0xa3: {  	vm2 =	vcmask $0x3734;
	vm5 =	vcmask $0x3330;
	vm7 =	vcmask $0x2F2C  }
0xa4: {  	vm8 =	vcmask $0x2B28;
	vm6 =	vcmask $0x2724;
	v12 =	vld [tilespmem:s31+$0x300];
	p5 =	por $0x0, $0x0;
	v11 =	vshrl.u32 v9, $0x5  }
0xa5: {  	vm12 =	vcmask $0x3F20;
	vm10 =	vcmask $0x3F1C;
	v2 =	vpsel p5, v11, v2  }
0xa6: {  	vm13 =	vcmask $0x3F10;
	vm1 =	vmmov vm3;
	p0 =	por $0x0, $0x0;
	v2 =	vperm.xlane v45, v2  }
0xa7: {  	vm9 =	vmneg vm0;
	vm14 =	vmmov vm8;
	v46 =	vld [tilespmem:s31+$0x280];
	vm1 =	vmneg @p0 vm1  }
0xa8: {  	v1 =	vand.u32 $0x1F, v1;
	vm0 =	vmand vm1, vm9;
	v47 =	vshrl.u32 v2, $0x5  }
0xa9: {  	vm2 =	vmand vm1, vm2;
	v1 =	vnsel vm0, $0x0, v1;
	v11 =	vperm.xlane v12, v47  }
0xaa: {  	v48 =	vld [tilespmem:s31+$0x200];
	v3 =	vand.u32 $0x1F, v3;
	vm0 =	vmand vm1, vm4;
	vm4 =	vcmask $0x2320  }
0xab: {  	v1 =	vsel vm0, v3, v1;
	vm0 =	vmmov vm5;
	v12 =	vshrl.u32 v11, $0x5  }
0xac: {  	vm11 =	vmmov vm4;
	v3 =	vand.u32 $0x1F, v4;
	v10 =	vperm.xlane v46, v12  }
0xad: {  	v49 =	vld [tilespmem:s31+$0x180];
	v1 =	vsel vm2, v3, v1;
	vm2 =	vmand vm1, vm5;
	v5 =	vand.u32 $0x1F, v5  }
0xae: {  	vm5 =	vcmask $0x3F18;
	v1 =	vsel vm2, v5, v1;
	v3 =	vshrl.u32 v10, $0x5  }
0xaf: {  	vm2 =	vmand vm1, vm7;
	v50 =	vand.u32 $0x1F, v6;
	v3 =	vperm.xlane v48, v3  }
0xb0: {  	v51 =	vld [tilespmem:s31+$0x100];
	vm7 =	vmand vm1, vm6;
	vm6 =	vcmask $0x3F0C;
	v1 =	vsel vm2, v50, v1  }
0xb1: {  	vm2 =	vmand vm1, vm8;
	vm1 =	vmand vm1, vm4;
	v52 =	vshrl.u32 v3, $0x5  }
0xb2: {  	vm4 =	vcmask $0x3F08;
	v7 =	vand.u32 $0x1F, v7;
	v4 =	vperm.xlane v49, v52  }
0xb3: {  	v54 =	vld [tilespmem:s31+$0x80];
	vm8 =	vmmov vm12;
	v1 =	vsel vm2, v7, v1;
	vm2 =	vcmask $0x3F14  }
0xb4: {  	vm15 =	vmmov vm2;
	v53 =	vand.u32 $0x1F, v8;
	v55 =	vshrl.u32 v4, $0x5  }
0xb5: {  	v1 =	vsel vm7, v53, v1;
	v56 =	vand.u32 $0x1F, v9;
	v5 =	vperm.xlane v51, v55  }
0xb6: {  	v57 =	vld [tilespmem:s31+$0x0];
	vm7 =	vmmov vm10;
	v1 =	vsel vm1, v56, v1;
	v2 =	vand.u32 $0x1F, v2  }
0xb7: {  	v59 =	vld [tilespmem:$0x12C00];
	vm1 =	vmmov $0x1;
	v1 =	vsel vm12, v1, v2;
	v58 =	vshrl.u32 v5, $0x5  }
0xb8: {  	vm12 =	vmmov vm13;
	v11 =	vand.u32 $0x1F, v11;
	v2 =	vperm.xlane v54, v58  }
0xb9: {  	v1 =	vsel vm10, v1, v11;
	vm10 =	vmmov vm5;
	v60 =	vand.u32 $0x1F, v10  }
0xba: {  	v1 =	vsel vm5, v1, v60;
	v3 =	vand.u32 $0x1F, v3;
	v61 =	vshra.s32 v2, $0x5  }
0xbb: {  	v1 =	vsel vm2, v1, v3;
	v4 =	vand.u32 $0x1F, v4;
	v3 =	vperm.xlane v57, v61  }
0xbc: {  	v1 =	vsel vm13, v1, v4;
	v5 =	vand.u32 $0x1F, v5;
	v62 =	vperm.xlane v59, v61  }
0xbd: {  	s11 =	simm.s32 $0x19140;
	s12 =	simm.s32 $0x18;
	p6 =	por $0x0, $0x0;
	v1 =	vsel vm6, v1, v5;
	v2 =	vand.u32 $0x1F, v2;
	v63 =	vand.u32 $0x1F, v3  }
0xbe: {  	s10 =	simm.s32 $0xFFFFFFF0;
	s8 =	simm.s32 $0xBF;
	s9 =	simm.s32 $0x18480;
	v2 =	vsel vm4, v1, v2;
	v3 =	vshra.s32 v3, $0x5;
	v4 =	vpsel p6, v62, v63  }
0xbf: {  	s13 =	smin.u32 s8, $0xC7;
	s8 =	simm.s32 $0x19130;
	s7 =	simm.s32 $0x8;
	vm13 =	vmmov vm6;
	v1 =	vpsel p6, v61, v3;
	v2 =	vsel vm1, v4, v2  }
.LBB2_7:
0xc0: {  	p0 =	sne.s32 s12, $0xB8;
	s14 =	sshll.u32 s13, $0x7  }
0xc1: {  	[tilespmem:s11+$0x0] =	vst v2;
	s13 =	smov.u32 s12;
	s12 =	sadd.s32 $0x10, s12;
	s11 =	smov.u32 s8  }
0xc2: {  	v2 =	vld [tilespmem:s14+$0x12C80]  }
0xc3: {  	s14 =	sadd.s32 $0xCE, s10  }
0xc4: {  	s14 =	smin.u32 s14, $0xC7  }
0xc5: {  	s14 =	sshll.u32 s14, $0x7  }
0xc6: {  	v3 =	vld [tilespmem:s14+$0x12C80]  }
0xc7: {  	p1 =	sne.s32 s7, $0xFFFFFFF8;
	vm2 =	vmmov vm3;
	s14 =	sadd.s32 $0xCD, s10;
	v2 =	vperm.xlane v2, v1  }
0xc8: {  	vm6 =	vmmov vm4;
	vm2 =	vmneg @p1 vm2;
	s14 =	smin.u32 s14, $0xC7  }
0xc9: {  	p1 =	slt.u32 s7, $0xC7;
	vm4 =	vmand vm2, vm9;
	s14 =	sshll.u32 s14, $0x7;
	v4 =	vand.u32 $0x1F, v2;
	v2 =	vshra.s32 v2, $0x5  }
0xca: {  	v4 =	vnsel vm4, $0x0, v4;
	v1 =	vpsel p1, v2, v1;
	v2 =	vld [tilespmem:s14+$0x12C80]  }
0xcb: {  	s14 =	sadd.s32 $0xCC, s10;
	v3 =	vperm.xlane v3, v1  }
0xcc: {  	s15 =	sadd.s32 $0x1, s7;
	vm4 =	vcmask $0x3B38;
	s14 =	smin.u32 s14, $0xC7  }
0xcd: {  	p1 =	slt.u32 s15, $0xC7;
	vm4 =	vmand vm2, vm4;
	s14 =	sshll.u32 s14, $0x7;
	v5 =	vand.u32 $0x1F, v3;
	v3 =	vshra.s32 v3, $0x5  }
0xce: {  	v4 =	vsel vm4, v5, v4;
	v1 =	vpsel p1, v3, v1;
	v3 =	vld [tilespmem:s14+$0x12C80]  }
0xcf: {  	s14 =	sadd.s32 $0xCB, s10;
	v2 =	vperm.xlane v2, v1  }
0xd0: {  	s15 =	sadd.s32 $0x2, s7;
	vm4 =	vcmask $0x3734;
	s14 =	smin.u32 s14, $0xC7  }
0xd1: {  	p1 =	slt.u32 s15, $0xC7;
	vm4 =	vmand vm2, vm4;
	s14 =	sshll.u32 s14, $0x7;
	v5 =	vand.u32 $0x1F, v2;
	v2 =	vshra.s32 v2, $0x5  }
0xd2: {  	v4 =	vsel vm4, v5, v4;
	v1 =	vpsel p1, v2, v1;
	v2 =	vld [tilespmem:s14+$0x12C80]  }
0xd3: {  	s14 =	sadd.s32 $0xCA, s10;
	v3 =	vperm.xlane v3, v1  }
0xd4: {  	s15 =	sadd.s32 $0x3, s7;
	s14 =	smin.u32 s14, $0xC7  }
0xd5: {  	vm4 =	vmand vm2, vm0;
	p1 =	slt.u32 s15, $0xC7;
	s14 =	sshll.u32 s14, $0x7;
	v5 =	vand.u32 $0x1F, v3;
	v3 =	vshra.s32 v3, $0x5  }
0xd6: {  	v4 =	vsel vm4, v5, v4;
	v1 =	vpsel p1, v3, v1;
	v3 =	vld [tilespmem:s14+$0x12C80]  }
0xd7: {  	s14 =	sadd.s32 $0xC9, s10;
	v2 =	vperm.xlane v2, v1  }
0xd8: {  	s15 =	sadd.s32 $0x4, s7;
	s14 =	smin.u32 s14, $0xC7  }
0xd9: {  	p1 =	slt.u32 s15, $0xC7;
	s14 =	sshll.u32 s14, $0x7;
	v5 =	vand.u32 $0x1F, v2;
	v2 =	vshra.s32 v2, $0x5  }
0xda: {  	v1 =	vpsel p1, v2, v1;
	v2 =	vld [tilespmem:s14+$0x12C80]  }
0xdb: {  	s14 =	sadd.s32 $0xC8, s10;
	v3 =	vperm.xlane v3, v1  }
0xdc: {  	s15 =	sadd.s32 $0x5, s7;
	s14 =	smin.u32 s14, $0xC7  }
0xdd: {  	vm4 =	vcmask $0x2F2C;
	p1 =	slt.u32 s15, $0xC7;
	s14 =	sshll.u32 s14, $0x7;
	v6 =	vand.u32 $0x1F, v3;
	v3 =	vshra.s32 v3, $0x5  }
0xde: {  	vm5 =	vcmask $0x2724;
	vm4 =	vmand vm2, vm4;
	v1 =	vpsel p1, v3, v1;
	v3 =	vld [tilespmem:s14+$0x12C80]  }
0xdf: {  	v4 =	vsel vm4, v5, v4;
	vm4 =	vmand vm2, vm14;
	v2 =	vperm.xlane v2, v1  }
0xe0: {  	vm5 =	vmand vm2, vm5;
	s14 =	sadd.s32 $0x6, s7;
	v4 =	vsel vm4, v6, v4  }
0xe1: {  	vm4 =	vmmov vm6;
	p1 =	slt.u32 s14, $0xC7;
	v5 =	vand.u32 $0x1F, v2;
	v2 =	vshra.s32 v2, $0x5  }
0xe2: {  	v4 =	vsel vm5, v5, v4;
	v1 =	vpsel p1, v2, v1;
	v2 =	vld [tilespmem:s9+$0x380]  }
0xe3: {  	v3 =	vperm.xlane v3, v1  }
0xe4: {  	s14 =	sadd.s32 $0x7, s7  }
0xe5: {  	vm2 =	vmand vm2, vm11;
	p1 =	slt.u32 s14, $0xC7;
	v5 =	vand.u32 $0x1F, v3;
	v3 =	vshrl.u32 v3, $0x5;
	v6 =	vld [tilespmem:s9+$0x300]  }
0xe6: {  	v4 =	vsel vm2, v5, v4;
	v1 =	vpsel p1, v3, v1  }
0xe7: {  	v1 =	vperm.xlane v2, v1  }
0xe8: {  	v2 =	vld [tilespmem:s9+$0x280]  }
0xe9: {  	v3 =	vand.u32 $0x1F, v1;
	v1 =	vshrl.u32 v1, $0x5  }
0xea: {  	v1 =	vperm.xlane v6, v1  }
0xeb: {  	v5 =	vld [tilespmem:s9+$0x200]  }
0xec: {  	v6 =	vand.u32 $0x1F, v1;
	v1 =	vshrl.u32 v1, $0x5  }
0xed: {  	v1 =	vperm.xlane v2, v1  }
0xee: {  	v2 =	vld [tilespmem:s9+$0x180]  }
0xef: {  	v7 =	vand.u32 $0x1F, v1;
	v1 =	vshrl.u32 v1, $0x5  }
0xf0: {  	v1 =	vperm.xlane v5, v1  }
0xf1: {  	v5 =	vld [tilespmem:s9+$0x100]  }
0xf2: {  	v8 =	vand.u32 $0x1F, v1;
	v1 =	vshrl.u32 v1, $0x5  }
0xf3: {  	v1 =	vperm.xlane v2, v1  }
0xf4: {  	v2 =	vld [tilespmem:s9+$0x80]  }
0xf5: {  	v9 =	vand.u32 $0x1F, v1;
	v1 =	vshrl.u32 v1, $0x5  }
0xf6: {  	v1 =	vperm.xlane v5, v1  }
0xf7: {  	v5 =	vld [tilespmem:s9+$0x0]  }
0xf8: {  	v10 =	vand.u32 $0x1F, v1;
	v1 =	vshrl.u32 v1, $0x5;
	v11 =	vld [tilespmem:$0x12C00]  }
0xf9: {  	v3 =	vsel vm8, v4, v3;
	v1 =	vperm.xlane v2, v1  }
0xfa: {  	v2 =	vsel vm7, v3, v6  }
0xfb: {  	v2 =	vsel vm10, v2, v7;
	v3 =	vand.u32 $0x1F, v1;
	v1 =	vshra.s32 v1, $0x5  }
.Ltmp3:
0xfc: {  	v2 =	vsel vm15, v2, v8;
	v4 =	vperm.xlane v5, v1;
	(pc) =	sbr.rel @p0 .LBB2_7-.Ltmp3, $4  }
0xfd: {  	v2 =	vsel vm12, v2, v9;
	v5 =	vperm.xlane v11, v1  }
0xfe: {  	s10 =	sadd.s32 $0xFFFFFFF0, s10;
	p1 =	seq.s32 s7, $0xB8;
	s7 =	smov.u32 s13;
	v2 =	vsel vm13, v2, v10;
	v6 =	vand.u32 $0x1F, v4;
	v4 =	vshra.s32 v4, $0x5  }
0xff: {  	s13 =	sadd.s32 $0xCF, s10;
	v2 =	vsel vm6, v2, v3;
	v3 =	vpsel p1, v5, v6;
	v1 =	vpsel p1, v1, v4  }
0x100: {  	s8 =	sadd.s32 $0xFFFFFFF0, s8;
	s13 =	smin.u32 s13, $0xC7;
	s9 =	sadd.s32 $0xFFFFF800, s9;
	v2 =	vsel vm1, v3, v2  }
0x101: {  	s12 =	sshll.u32 s13, $0x7;
	[tilespmem:s11+$0x0] =	vst v2  }
0x102: {  	v2 =	vld [tilespmem:s12+$0x12C80]  }
0x103: {  	s17 =	sadd.s32 $0xCE, s10  }
0x104: {  	s11 =	smin.u32 s17, $0xC7  }
0x105: {  	s11 =	sshll.u32 s11, $0x7  }
0x106: {  	v3 =	vld [tilespmem:s11+$0x12C80]  }
0x107: {  	s18 =	sadd.s32 $0xCD, s10;
	v2 =	vperm.xlane v2, v1  }
0x108: {  	s11 =	smin.u32 s18, $0xC7  }
0x109: {  	p0 =	slt.u32 s7, $0xC7;
	s11 =	sshll.u32 s11, $0x7;
	v4 =	vshra.s32 v2, $0x5  }
0x10a: {  	v1 =	vpsel p0, v4, v1;
	v4 =	vld [tilespmem:s11+$0x12C80]  }
0x10b: {  	s19 =	sadd.s32 $0xCC, s10;
	v3 =	vperm.xlane v3, v1  }
0x10c: {  	s20 =	sadd.s32 $0x1, s7;
	s11 =	smin.u32 s19, $0xC7  }
0x10d: {  	p5 =	slt.u32 s20, $0xC7;
	s11 =	sshll.u32 s11, $0x7;
	v5 =	vshra.s32 v3, $0x5  }
0x10e: {  	v1 =	vpsel p5, v5, v1;
	v5 =	vld [tilespmem:s11+$0x12C80]  }
0x10f: {  	s21 =	sadd.s32 $0xCB, s10;
	v4 =	vperm.xlane v4, v1  }
0x110: {  	s22 =	sadd.s32 $0x2, s7;
	s11 =	smin.u32 s21, $0xC7  }
0x111: {  	p6 =	slt.u32 s22, $0xC7;
	s11 =	sshll.u32 s11, $0x7;
	v6 =	vshra.s32 v4, $0x5  }
0x112: {  	v1 =	vpsel p6, v6, v1;
	v6 =	vld [tilespmem:s11+$0x12C80]  }
0x113: {  	s23 =	sadd.s32 $0xCA, s10;
	v5 =	vperm.xlane v5, v1  }
0x114: {  	s24 =	sadd.s32 $0x3, s7;
	s11 =	smin.u32 s23, $0xC7  }
0x115: {  	p1 =	slt.u32 s24, $0xC7;
	s11 =	sshll.u32 s11, $0x7;
	v7 =	vshra.s32 v5, $0x5  }
0x116: {  	v1 =	vpsel p1, v7, v1;
	v7 =	vld [tilespmem:s11+$0x12C80]  }
0x117: {  	s25 =	sadd.s32 $0xC9, s10;
	v6 =	vperm.xlane v6, v1  }
0x118: {  	s26 =	sadd.s32 $0x4, s7;
	s11 =	smin.u32 s25, $0xC7  }
0x119: {  	p2 =	slt.u32 s26, $0xC7;
	s11 =	sshll.u32 s11, $0x7;
	v8 =	vshra.s32 v6, $0x5  }
0x11a: {  	v1 =	vpsel p2, v8, v1;
	v8 =	vld [tilespmem:s11+$0x12C80]  }
0x11b: {  	s28 =	sadd.s32 $0xC8, s10;
	v7 =	vperm.xlane v7, v1  }
0x11c: {  	s29 =	sadd.s32 $0x5, s7;
	s10 =	smin.u32 s28, $0xC7  }
0x11d: {  	p3 =	slt.u32 s29, $0xC7;
	s10 =	sshll.u32 s10, $0x7;
	v9 =	vshra.s32 v7, $0x5  }
0x11e: {  	v57 =	vld [tilespmem:s10+$0x12C80];
	v1 =	vpsel p3, v9, v1  }
0x11f: {  	v8 =	vperm.xlane v8, v1  }
0x120: {  	s30 =	sadd.s32 $0x6, s7  }
0x121: {  	p4 =	slt.u32 s30, $0xC7;
	v10 =	vshra.s32 v8, $0x5  }
0x122: {  	v58 =	vld [tilespmem:s9+$0x380];
	v1 =	vpsel p4, v10, v1  }
0x123: {  	v9 =	vperm.xlane v57, v1  }
0x124: {  	s31 =	sadd.s32 $0x7, s7  }
0x125: {  	v12 =	vld [tilespmem:s9+$0x300];
	p5 =	slt.u32 s31, $0xC7;
	v11 =	vshrl.u32 v9, $0x5  }
0x126: {  	v1 =	vpsel p5, v11, v1  }
0x127: {  	v1 =	vperm.xlane v58, v1  }
0x128: {  	v59 =	vld [tilespmem:s9+$0x280]  }
0x129: {  	v60 =	vshrl.u32 v1, $0x5  }
0x12a: {  	p0 =	sne.s32 s7, $0xFFFFFFF8;
	v11 =	vperm.xlane v12, v60  }
0x12b: {  	v61 =	vld [tilespmem:s9+$0x200];
	vm3 =	vmneg @p0 vm3  }
0x12c: {  	v2 =	vand.u32 $0x1F, v2;
	vm2 =	vmand vm3, vm9;
	v13 =	vshrl.u32 v11, $0x5  }
0x12d: {  	v2 =	vnsel vm2, $0x0, v2;
	vm2 =	vcmask $0x3B38;
	v10 =	vperm.xlane v59, v13  }
0x12e: {  	v62 =	vld [tilespmem:s9+$0x180];
	v3 =	vand.u32 $0x1F, v3;
	vm2 =	vmand vm3, vm2  }
0x12f: {  	v2 =	vsel vm2, v3, v2;
	vm2 =	vcmask $0x3734;
	v3 =	vshrl.u32 v10, $0x5  }
0x130: {  	vm2 =	vmand vm3, vm2;
	v4 =	vand.u32 $0x1F, v4;
	v3 =	vperm.xlane v61, v3  }
0x131: {  	v2 =	vsel vm2, v4, v2;
	vm2 =	vmand vm3, vm0;
	v4 =	vand.u32 $0x1F, v5;
	v5 =	vld [tilespmem:s9+$0x100]  }
0x132: {  	vm0 =	vcmask $0x2F2C;
	v2 =	vsel vm2, v4, v2;
	v4 =	vshrl.u32 v3, $0x5  }
0x133: {  	vm0 =	vmand vm3, vm0;
	v6 =	vand.u32 $0x1F, v6;
	v4 =	vperm.xlane v62, v4  }
0x134: {  	v2 =	vsel vm0, v6, v2;
	vm0 =	vmand vm3, vm14;
	v6 =	vand.u32 $0x1F, v7;
	v7 =	vld [tilespmem:s9+$0x80]  }
0x135: {  	v2 =	vsel vm0, v6, v2;
	vm0 =	vcmask $0x2724;
	v6 =	vshrl.u32 v4, $0x5  }
0x136: {  	vm0 =	vmand vm3, vm0;
	v5 =	vperm.xlane v5, v6;
	v6 =	vand.u32 $0x1F, v8  }
0x137: {  	v8 =	vld [tilespmem:s9+$0x0];
	v2 =	vsel vm0, v6, v2;
	vm0 =	vmand vm3, vm11;
	v6 =	vand.u32 $0x1F, v9  }
0x138: {  	v63 =	vld [tilespmem:$0x12C00];
	v1 =	vand.u32 $0x1F, v1;
	v2 =	vsel vm0, v6, v2;
	v6 =	vshrl.u32 v5, $0x5  }
0x139: {  	v1 =	vsel vm8, v2, v1;
	v2 =	vand.u32 $0x1F, v11;
	v6 =	vperm.xlane v7, v6  }
0x13a: {  	v1 =	vsel vm7, v1, v2;
	v2 =	vand.u32 $0x1F, v10  }
0x13b: {  	v1 =	vsel vm10, v1, v2;
	v2 =	vand.u32 $0x1F, v3;
	v3 =	vshra.s32 v6, $0x5  }
0x13c: {  	v1 =	vsel vm15, v1, v2;
	v2 =	vand.u32 $0x1F, v4;
	v4 =	vperm.xlane v8, v3  }
0x13d: {  	v3 =	vperm.xlane v63, v3;
	v1 =	vsel vm12, v1, v2;
	v2 =	vand.u32 $0x1F, v5  }
0x13e: {  	p6 =	seq.s32 s7, $0xB8;
	v1 =	vsel vm13, v1, v2;
	v2 =	vand.u32 $0x1F, v6;
	v4 =	vand.u32 $0x1F, v4  }
0x13f: {  	v1 =	vsel vm4, v1, v2;
	v2 =	vpsel p6, v3, v4  }
0x140: {  	v1 =	vsel vm1, v2, v1  }
0x141: {  	[tilespmem:s8+$0x0] =	vst v1;
	v1 =	vimm.s32 $0xFFFFFFFF  }
0x142: {  	_ =	strace $0x9000004A;
	[tilespmem:$0x19180] =	vst v1  }
0x143: {  	[tilespmem:$0x19190] =	vst v1  }
0x144: {  	[tilespmem:$0x191A0] =	vst v1  }
0x145: {  	[tilespmem:$0x191B0] =	vst v1  }
0x146: {  	[tilespmem:$0x191C0] =	vst v1  }
0x147: {  	[tilespmem:$0x191D0] =	vst v1  }
0x148: {  	[tilespmem:$0x191E0] =	vst v1  }
0x149: {  	[tilespmem:$0x191F0] =	vst v1  }
0x14a: {  	[tilespmem:$0x19200] =	vst v1  }
0x14b: {  	[tilespmem:$0x19210] =	vst v1  }
0x14c: {  	v2 =	vimm.s32 $0xEDCBA987;
	[tilespmem:$0x19220] =	vst v1  }
0x14d: {  	v3 =	vimm.s32 $0x65432100;
	v2 =	vunpack.c.l.s4.s8 v2;
	[tilespmem:$0x19230] =	vst v1  }
0x14e: {  	v3 =	vunpack.c.l.s4.s8 v3;
	[tilespmem:$0x19240] =	vst v1  }
0x14f: {  	[tilespmem:$0x19250] =	vst v1;
	v2 =	vunpack.c.0.s8.s32 v2  }
0x150: {  	v4 =	vlaneseq.u32;
	[tilespmem:$0x19260] =	vst v1;
	v5 =	vunpack.c.0.s8.s32 v3  }
0x151: {  	s10 =	simm.s32 $0x19080;
	s7 =	simm.s32 $0x0;
	v6 =	vimm.s32 $0xF;
	v4 =	vor.u32 $0x80000000, v4;
	[tilespmem:$0x19270] =	vst v1;
	v2 =	vand.u32 $0xF, v2  }
0x152: {  	s9 =	simm.s32 $0x19180;
	s8 =	simm.s32 $0x19080;
	v3 =	vimm.s32 $0x0;
	_ =	strace $0x8000004B;
	v5 =	vcombine.low v5, v2;
	v2 =	vimm.s32 $0x0  }
.LBB2_9:
0x153: {  	v7 =	vld [tilespmem:s10+$0x0];
	_ =	sdelay $0x4  }
0x154: {  	v8 =	vor.u32 s7, v4;
	vm0 =	vne.s32 v7, $0x0  }
0x155: {  	v8 =	vnsel vm0, $0x7FFFFFFF, v8  }
0x156: {  	(xrf0) =	vmax.scan.msk.u32 $0xffff, v8;
	_ =	sdelay $0x5  }
0x157: {  	v8, _, _ =	vpop (xrf0)  }
0x158: {  	v8 =	vxor.u32 $0x80000000, v8  }
0x159: {  	vm2 =	vgt.s32 v8, v1  }
0x15a: {  	v8 =	vsel vm2, v8, v1  }
0x15b: {  	v9 =	vperm.xlane v8, v5;
	_ =	sdelay $0x1  }
0x15c: {  	v1 =	vsel vm1, v1, v9  }
0x15d: {  	vm2 =	vgt.s32 v1, $0x0  }
0x15e: {  	v9 =	vnsel vm2, $0x0, v1;
	_ =	sdelay $0x4  }
0x15f: {  	v9 =	vld.idx.msk [tilespmem:v9+s8+$0x0], $0xffff;
	_ =	sdelay $0x3  }
0x160: {  	v1 =	vshra.s32 v1, $0x1F  }
0x161: {  	v1 =	vor.u32 v9, v1  }
0x162: {  	vm2 =	vne.s32 v7, v1  }
0x163: {  	vm0 =	vmand vm0, vm2  }
0x164: {  	v1 =	vsel vm0, $0x1, v3  }
0x165: {  	(xrf0) =	vadd.scan.msk.s32 $0xffff, v1;
	_ =	sdelay $0x5  }
0x166: {  	v1, _, _ =	vpop (xrf0)  }
0x167: {  	v63 =	vadd.s32 v1, v2  }
0x168: {  	v9 =	vadd.s32 $0xFFFFFFFF, v63  }
0x169: {  	p0 =	sne.s32 s7, $0xC0;
	v9 =	vnsel vm0, $0xFF, v9  }
.Ltmp4:
0x16a: {  	_ = 	snop;
	(pc) =	sbr.rel @p0 .LBB2_9-.Ltmp4, $3  }
0x16b: {  	_ = 	snop  }
0x16c: {  	v1 =	vperm.xlane v1, v6;
	_ =	sdelay $0x1  }
0x16d: {  	s10 =	sadd.s32 $0x10, s10;
	s7 =	sadd.s32 $0x10, s7;
	v2 =	vadd.s32 v2, v1;
	v1 =	vperm.xlane v8, v6;
	[tilespmem:v9+s9+$0x0] =	vst.idx.msk vm0, v7  }
0x16e: {  	_ =	strace $0x9000004B  }
0x16f: {  	s7 =	simm.s32 $0x80;
	s8 =	simm.s32 $0x400;
	s9 =	simm.s32 $0x19180  }
0x170: {  	v1 =	vimm.s32 $0x0;
	[hbm4b:s6+s7] =	stream.strided.scatter [tilespmem:s9], [sflag:$0x1], $0x100, s8, s7, $0x38;
	[tilespmem:$0x19510] =	vst v63  }
0x171: {  	v0 =	vperm.xlane v0, v1;
	s6 =	simm.s32 $0x1  }
0x172: {  	_ =	swait.ge [sflag:s6], $0x100  }
0x173: {  	[sflag:s6] =	ssyncset.done $0x0;
	v0 =	vsel vm4, $0x0, v0  }
0x174: {  	[sflag:s6] =	ssyncadd.s32 $0xFFFFFF00;
	v0 =	vsel vm1, v2, v0  }
0x175: {  	s31 =	simm.s32 $0x19280;
	[tilespmem:$0x19280] =	vst v0  }
0x176: {  	[spmem:s5] =	stream.linear.scatter [tilespmem:s31], [sflag:$0x1], $0x10, $0x38;
	[tilespmem:$0x19510] =	vst v63  }
0x177: {  	_ =	swait.ge [sflag:s6], $0x10  }
0x178: {  	[sflag:s6] =	ssyncset.done $0x0  }
0x179: {  	[sflag:s6] =	ssyncadd.s32 $0xFFFFFFF0  }
0x17a: {  	p0 =	sne.s32 s1, $0x0;
	[bflag:$0x0] =	sbarrier.arrive $0xFFFF  }
0x17b: {  	_ =	sfence.sel @p0 $0x180000  }
0x17c: {  	[bflag:$0x0] =	sbarrier.arrive @p0 $0xFFFF  }
0x17d: {  	_ =	strace @p0 $0x90000047  }
0x17e: {  	[bflag:$0x2] =	sbarrier.arrive @p0 $0xFFFF  }
0x17f: {  	_ =	shalt @p0  }
.LBB2_11:
0x180: {  	v0 =	vlaneseq.u32  }
0x181: {  	v0 =	vmul.u32 $0x10, v0  }
0x182: {  	s5 =	simm.s32 $0x19300  }
0x183: {  	[tilespmem:s5], [sflag:$0x1] =	stream.linear.gather [spmem:s4], $0x100, $0x38;
	[tilespmem:$0x19510] =	vst v63  }
0x184: {  	_ =	swait.ge [sflag:s6], $0x100  }
0x185: {  	[sflag:s6] =	ssyncset.done $0x0  }
0x186: {  	[sflag:s6] =	ssyncadd.s32 $0xFFFFFF00  }
0x187: {  	v1 =	vld.idx.msk [tilespmem:v0+s5+$0x0], $0xffff  }
0x188: {  	v0 =	vor.u32 $0x1, v0;
	_ =	sdelay $0x3  }
0x189: {  	[tilespmem:$0x19400] =	vst v1  }
0x18a: {  	v0 =	vld.idx.msk [tilespmem:v0+s5+$0x0], $0xffff;
	_ =	sdelay $0x4  }
0x18b: {  	s29 =	simm.s32 $0x0;
	s30 =	simm.s32 $0x19400;
	[tilespmem:$0x19480] =	vst v0  }
0x18c: {  	[hbm4b:s3+s29] =	stream.linear.scatter [tilespmem:s30], [sflag:$0x1], $0x8, $0x38;
	[tilespmem:$0x19510] =	vst v63  }
0x18d: {  	_ =	swait.ge [sflag:s6], $0x8  }
0x18e: {  	[sflag:s6] =	ssyncset.done $0x0  }
.Ltmp5:
0x18f: {  	s31 =	simm.s32 $0x19480;
	[sflag:s6] =	ssyncadd.s32 $0xFFFFFFF8;
	(pc) =	sbr.rel .LBB2_12-.Ltmp5, $4  }
0x190: {  	[hbm4b:s2+s29] =	stream.linear.scatter [tilespmem:s31], [sflag:$0x1], $0x8, $0x38;
	[tilespmem:$0x19510] =	vst v63  }
0x191: {  	_ =	swait.ge [sflag:s6], $0x8  }
0x192: {  	[sflag:s6] =	ssyncset.done $0x0  }
0x193: {  	[sflag:s6] =	ssyncadd.s32 $0xFFFFFFF8  }
.LBB2_1:
0x194: {  	[bflag:$0x0] =	sbarrier.arrive $0xFFFF  }
.LBB2_12:
0x195: {  	_ =	sfence.sel $0x180000  }
0x196: {  	[bflag:$0x0] =	sbarrier.arrive $0xFFFF  }
0x197: {  	p0 =	sne.s32 s1, $0x0;
	_ =	strace $0x90000047  }
0x198: {  	s0 =	sadd.s32 @!p0 $0x100000, s0;
	[bflag:$0x2] =	sbarrier.arrive $0xFFFF  }
0x199: {  	[sflag:s0] =	ssyncadd.tile.s32 @!p0 $0x1;
	_ =	shalt  }
.Lfunc_end2:
_tile_overlayer_lowered:
.L_overlay_start_2:
0x19a: {  	(tag) =	ssettag $0x2  }
0x19b: {  	s0 =	rddreg [dreg:$0x0];
	s2 =	stileid.u32  }
0x19c: {  	s1 =	rddreg [dreg:$0x1];
	p0 =	sne.s32 s2, $0x0  }
0x19d: {  	s3 =	rddreg [dreg:$0x2];
	[bflag:$0x3] =	sbarrier.arrive $0xFFFF;
	s2 =	simm.s32 @!p0 $0x1C01  }
0x19e: {  	[timem:s3], [sflag:s2] =	dma.local @!p0 [hbm:s0], s1  }
0x19f: {  	s0 =	simm.s32 @!p0 $0x1  }
0x1a0: {  	_ =	swait.ge @!p0 [sflag:s0], s1  }
0x1a1: {  	s1 =	ssub.s32 @!p0 $0x0, s1;
	[sflag:s0] =	ssyncset.done @!p0 $0x0  }
0x1a2: {  	[sflag:s0] =	ssyncadd.s32 @!p0 s1  }
0x1a3: {  	[bflag:$0x3] =	sbarrier.arrive $0xFFFF  }
0x1a4: {  	_ =	shalt  }

</sc_bundles>
